<compile_context>
chip_gen: v7x
topology: tpu7x:2x2x1
jax: 0.10.2.dev20260603
libtpu: 0.0.44.dev20260713+nightly
codegen_flags: <defaults>
</compile_context>

<pallas_src>
import functools

import jax
import jax.numpy as jnp
from jax import lax
from jax.experimental import pallas as pl
from jax.experimental.pallas import tpu as pltpu
from jax.experimental.pallas import tpu_sc as plsc

N_NODES = 10000
N_EDGES = 320000
CH = 128
NC = 2
NS = 16
NT = NC * NS
CHUNK = 128
N_CHUNKS = N_EDGES // CHUNK
CHUNKS_PER_TILE = N_CHUNKS // NT
N_EXTRA = N_CHUNKS - CHUNKS_PER_TILE * NT
NBUF = 3
ROWS_PER_TILE = 632
LAST_ROWS = N_NODES - (NS - 1) * ROWS_PER_TILE


def _sc_segment_sum(edge_attr, dst3d, zeros):
    mesh = plsc.VectorSubcoreMesh(core_axis_name="c", subcore_axis_name="s")

    @functools.partial(
        pl.kernel,
        out_type=jax.ShapeDtypeStruct((NC * N_NODES, CH), jnp.float32),
        mesh=mesh,
        scratch_types=[
            pltpu.VMEM((NBUF, 1, CHUNK), jnp.int32),
            pltpu.VMEM((NBUF, CHUNK, CH), jnp.float32),
            pltpu.VMEM_SHARED((N_NODES, CH), jnp.float32),
        ] + [pltpu.SemaphoreType.DMA] * NBUF,
    )
    def body(attr_hbm, dst_hbm, zeros_hbm, out_hbm, idx_v, rows_v, acc, *sems):
        cid = lax.axis_index("c")
        sid = lax.axis_index("s")
        tid = cid * NS + sid
        c0 = tid * CHUNKS_PER_TILE + jnp.minimum(tid, N_EXTRA)

        def start_gather(b, chunk):
            pltpu.async_copy(dst_hbm.at[chunk], idx_v.at[b], sems[b])
            pltpu.async_copy(
                attr_hbm.at[pl.ds(chunk * CHUNK, CHUNK)], rows_v.at[b], sems[b])

        def wait_gather(b):
            pltpu.make_async_copy(dst_hbm.at[0], idx_v.at[b], sems[b]).wait()
            pltpu.make_async_copy(
                attr_hbm.at[pl.ds(0, CHUNK)], rows_v.at[b], sems[b]).wait()

        def scatter(b):
            pltpu.sync_copy(rows_v.at[b], acc.at[idx_v.at[b, 0]], add=True)

        for b in range(NBUF):
            start_gather(b, c0 + b)

        @pl.when(sid < NS - 1)
        def _():
            pltpu.sync_copy(
                zeros_hbm.at[pl.ds(0, ROWS_PER_TILE)],
                acc.at[pl.ds(sid * ROWS_PER_TILE, ROWS_PER_TILE)],
            )

        @pl.when(sid == NS - 1)
        def _():
            pltpu.sync_copy(
                zeros_hbm.at[pl.ds(0, LAST_ROWS)],
                acc.at[pl.ds((NS - 1) * ROWS_PER_TILE, LAST_ROWS)],
            )

        plsc.subcore_barrier()

        def outer(g0, carry):
            for b in range(NBUF):
                g = g0 * NBUF + b
                wait_gather(b)
                scatter(b)
                start_gather(b, c0 + g + NBUF)
            return carry

        lax.fori_loop(0, CHUNKS_PER_TILE // NBUF - 1, outer, 0)
        for b in range(NBUF):
            wait_gather(b)
            scatter(b)

        @pl.when(tid < N_EXTRA)
        def _():
            start_gather(0, c0 + CHUNKS_PER_TILE)
            wait_gather(0)
            scatter(0)

        plsc.subcore_barrier()

        @pl.when(sid < NS - 1)
        def _():
            pltpu.sync_copy(
                acc.at[pl.ds(sid * ROWS_PER_TILE, ROWS_PER_TILE)],
                out_hbm.at[pl.ds(cid * N_NODES + sid * ROWS_PER_TILE, ROWS_PER_TILE)],
            )

        @pl.when(sid == NS - 1)
        def _():
            pltpu.sync_copy(
                acc.at[pl.ds((NS - 1) * ROWS_PER_TILE, LAST_ROWS)],
                out_hbm.at[pl.ds(cid * N_NODES + (NS - 1) * ROWS_PER_TILE, LAST_ROWS)],
            )

    return body(edge_attr, dst3d, zeros)


def _tc_linear(partials, W):
    blk = 10000
    nb = N_NODES // blk

    def mm(p0_ref, p1_ref, w_ref, o_ref):
        agg = p0_ref[...] + p1_ref[...]
        o_ref[...] = lax.dot_general(
            agg, w_ref[...], (((1,), (1,)), ((), ())),
            preferred_element_type=jnp.float32,
        )

    return pl.pallas_call(
        mm,
        grid=(nb,),
        in_specs=[
            pl.BlockSpec((blk, CH), lambda i: (i, 0)),
            pl.BlockSpec((blk, CH), lambda i: (i + nb, 0)),
            pl.BlockSpec((CH, CH), lambda i: (0, 0)),
        ],
        out_specs=pl.BlockSpec((blk, CH), lambda i: (i, 0)),
        out_shape=jax.ShapeDtypeStruct((N_NODES, CH), jnp.float32),
    )(partials, partials, W)


def kernel(edge_index, edge_attr, W):
    dst3d = edge_index[1].astype(jnp.int32).reshape(N_CHUNKS, 1, CHUNK)
    zeros = jnp.zeros((ROWS_PER_TILE, CH), jnp.float32)
    partials = _sc_segment_sum(edge_attr, dst3d, zeros)
    return _tc_linear(partials, W)

# --- scband reference (transcript-rebuilt; emitter-appended) ---
"""Pipeline reference for scband-aggregate-edges-80994493268244 (READ-ONLY COPY).

The authoritative reference and input builder live on the scoring server;
editing this copy changes nothing except your own understanding.
"""

import jax, jax.numpy as jnp
import numpy as np

N_NODES = 10000
N_EDGES = 320000
IN_CH = 128
OUT_CH = 128

def setup_inputs(seed: int = 0) -> dict:
    key = jax.random.key(seed)
    k1, k2, k3 = jax.random.split(key, 3)
    edge_index = jax.random.randint(k1, (2, N_EDGES), 0, N_NODES, dtype=jnp.int64)
    edge_attr = jax.random.normal(k2, (N_EDGES, IN_CH), dtype=jnp.float32)
    # Linear weight, torch convention [out_channels, in_channels], no bias
    W = jax.random.normal(k3, (OUT_CH, IN_CH), dtype=jnp.float32) * (1.0 / np.sqrt(IN_CH))
    return {"edge_index": edge_index, "edge_attr": edge_attr, "W": W}

def reference(edge_index, edge_attr, W):
    rx = edge_index[1]
    # scatter_add of edge_attr rows into per-destination-node accumulator
    agg = jax.ops.segment_sum(edge_attr, rx, num_segments=N_NODES)
    # Linear (no bias): agg @ W.T
    out = agg @ W.T
    return out

if __name__ == "__main__":
    import jax
    _d = setup_inputs()
    print(jax.jit(kernel)(*tuple(_d.values())))

</pallas_src>

<mosaic_0001>
#map = affine_map<(d0, d1) -> (0, 0)>
#map1 = affine_map<(d0, d1) -> (0, 0, 0)>
module attributes {stable_mosaic.version = 14 : i64} {
  func.func @body(%arg0: i32, %arg1: i32, %arg2: memref<320000x128xf32, #tpu.memory_space<hbm>>, %arg3: memref<2500x1x128xi32, #tpu.memory_space<hbm>>, %arg4: memref<632x128xf32, #tpu.memory_space<hbm>>, %arg5: memref<20000x128xf32, #tpu.memory_space<hbm>>, %arg6: memref<3x1x128xi32, #tpu.memory_space<vmem>>, %arg7: memref<3x128x128xf32, #tpu.memory_space<vmem>>, %arg8: memref<10000x128xf32, #tpu.memory_space<vmem_shared>>, %arg9: memref<!tpu.dma_semaphore, #tpu.memory_space<semaphore_mem>>, %arg10: memref<!tpu.dma_semaphore, #tpu.memory_space<semaphore_mem>>, %arg11: memref<!tpu.dma_semaphore, #tpu.memory_space<semaphore_mem>>) attributes {dimension_semantics = [#tpu.dimension_semantics<core_parallel>, #tpu.dimension_semantics<subcore_parallel>], iteration_bounds = array<i64: 2, 16>, scalar_prefetch = 0 : i64, scratch_operands = 6 : i64, tpu.core_type = #tpu.core_type<sc_vector_subcore>, window_params = [{transform_indices = #map}, {transform_indices = #map1}, {transform_indices = #map}, {transform_indices = #map}]} {
    %mul3A = arith.constant 16 : i32
    %mul3A_0 = arith.muli %arg0, %mul3A : i32
    %add3A = arith.addi %mul3A_0, %arg1 : i32
    %mul3A_1 = arith.constant 78 : i32
    %mul3A_2 = arith.muli %add3A, %mul3A_1 : i32
    %min3A = arith.constant 4 : i32
    %min3A_3 = arith.minsi %add3A, %min3A : i32
    %add3A_4 = arith.addi %mul3A_2, %min3A_3 : i32
    %add3A_5 = arith.constant 0 : i32
    %add3A_6 = arith.addi %add3A_4, %add3A_5 : i32
    %dma_start3A = arith.constant 0 : i32
    %dma_start3A_7 = arith.constant 0 : i32
    %dma_start3A_8 = arith.constant 0 : i32
    %dma_start3A_9 = tpu.memref_slice %arg6[%dma_start3A, %dma_start3A_7, %dma_start3A_8] : memref<3x1x128xi32, #tpu.memory_space<vmem>> -> memref<1x1x128xi32, #tpu.memory_space<vmem>>
    %dma_start3A_10 = tpu.memref_squeeze %dma_start3A_9 : memref<1x1x128xi32, #tpu.memory_space<vmem>> -> memref<1x128xi32, #tpu.memory_space<vmem>>
    %dma_start3A_11 = arith.constant 0 : i32
    %dma_start3A_12 = arith.constant 0 : i32
    %dma_start3A_13 = tpu.memref_slice %arg3[%add3A_6, %dma_start3A_11, %dma_start3A_12] : memref<2500x1x128xi32, #tpu.memory_space<hbm>> -> memref<1x1x128xi32, #tpu.memory_space<hbm>>
    %dma_start3A_14 = tpu.memref_squeeze %dma_start3A_13 : memref<1x1x128xi32, #tpu.memory_space<hbm>> -> memref<1x128xi32, #tpu.memory_space<hbm>>
    %dma_start3A_15 = arith.constant 0 : i32
    %dma_start3A_16 = arith.constant 0 : i32
    %dma_start3A_17 = tpu.memref_slice %arg6[%dma_start3A, %dma_start3A_15, %dma_start3A_16] : memref<3x1x128xi32, #tpu.memory_space<vmem>> -> memref<1x1x128xi32, #tpu.memory_space<vmem>>
    %dma_start3A_18 = tpu.memref_squeeze %dma_start3A_17 : memref<1x1x128xi32, #tpu.memory_space<vmem>> -> memref<1x128xi32, #tpu.memory_space<vmem>>
    %dma_start3A_19 = arith.constant 0 : i32
    %dma_start3A_20 = arith.constant 0 : i32
    %dma_start3A_21 = tpu.memref_slice %arg3[%add3A_6, %dma_start3A_19, %dma_start3A_20] : memref<2500x1x128xi32, #tpu.memory_space<hbm>> -> memref<1x1x128xi32, #tpu.memory_space<hbm>>
    %dma_start3A_22 = tpu.memref_squeeze %dma_start3A_21 : memref<1x1x128xi32, #tpu.memory_space<hbm>> -> memref<1x128xi32, #tpu.memory_space<hbm>>
    tpu.enqueue_dma source(%dma_start3A_22 : memref<1x128xi32, #tpu.memory_space<hbm>>) target(%dma_start3A_18 : memref<1x128xi32, #tpu.memory_space<vmem>>) target_semaphore(%arg9 : memref<!tpu.dma_semaphore, #tpu.memory_space<semaphore_mem>>)
    %mul3A_23 = arith.constant 128 : i32
    %mul3A_24 = arith.muli %add3A_6, %mul3A_23 : i32
    %dma_start3A_25 = arith.constant 0 : i32
    %dma_start3A_26 = arith.constant 0 : i32
    %dma_start3A_27 = arith.constant 0 : i32
    %dma_start3A_28 = tpu.memref_slice %arg7[%dma_start3A_25, %dma_start3A_26, %dma_start3A_27] : memref<3x128x128xf32, #tpu.memory_space<vmem>> -> memref<1x128x128xf32, #tpu.memory_space<vmem>>
    %dma_start3A_29 = tpu.memref_squeeze %dma_start3A_28 : memref<1x128x128xf32, #tpu.memory_space<vmem>> -> memref<128x128xf32, #tpu.memory_space<vmem>>
    %dma_start3A_30 = arith.constant 0 : i32
    %dma_start3A_31 = tpu.memref_slice %arg2[%mul3A_24, %dma_start3A_30] : memref<320000x128xf32, #tpu.memory_space<hbm>> -> memref<128x128xf32, #tpu.memory_space<hbm>>
    %dma_start3A_32 = arith.constant 0 : i32
    %dma_start3A_33 = arith.constant 0 : i32
    %dma_start3A_34 = tpu.memref_slice %arg7[%dma_start3A_25, %dma_start3A_32, %dma_start3A_33] : memref<3x128x128xf32, #tpu.memory_space<vmem>> -> memref<1x128x128xf32, #tpu.memory_space<vmem>>
    %dma_start3A_35 = tpu.memref_squeeze %dma_start3A_34 : memref<1x128x128xf32, #tpu.memory_space<vmem>> -> memref<128x128xf32, #tpu.memory_space<vmem>>
    %dma_start3A_36 = arith.constant 0 : i32
    %dma_start3A_37 = tpu.memref_slice %arg2[%mul3A_24, %dma_start3A_36] : memref<320000x128xf32, #tpu.memory_space<hbm>> -> memref<128x128xf32, #tpu.memory_space<hbm>>
    tpu.enqueue_dma source(%dma_start3A_37 : memref<128x128xf32, #tpu.memory_space<hbm>>) target(%dma_start3A_35 : memref<128x128xf32, #tpu.memory_space<vmem>>) target_semaphore(%arg9 : memref<!tpu.dma_semaphore, #tpu.memory_space<semaphore_mem>>)
    %add3A_38 = arith.constant 1 : i32
    %add3A_39 = arith.addi %add3A_4, %add3A_38 : i32
    %dma_start3A_40 = arith.constant 1 : i32
    %dma_start3A_41 = arith.constant 0 : i32
    %dma_start3A_42 = arith.constant 0 : i32
    %dma_start3A_43 = tpu.memref_slice %arg6[%dma_start3A_40, %dma_start3A_41, %dma_start3A_42] : memref<3x1x128xi32, #tpu.memory_space<vmem>> -> memref<1x1x128xi32, #tpu.memory_space<vmem>>
    %dma_start3A_44 = tpu.memref_squeeze %dma_start3A_43 : memref<1x1x128xi32, #tpu.memory_space<vmem>> -> memref<1x128xi32, #tpu.memory_space<vmem>>
    %dma_start3A_45 = arith.constant 0 : i32
    %dma_start3A_46 = arith.constant 0 : i32
    %dma_start3A_47 = tpu.memref_slice %arg3[%add3A_39, %dma_start3A_45, %dma_start3A_46] : memref<2500x1x128xi32, #tpu.memory_space<hbm>> -> memref<1x1x128xi32, #tpu.memory_space<hbm>>
    %dma_start3A_48 = tpu.memref_squeeze %dma_start3A_47 : memref<1x1x128xi32, #tpu.memory_space<hbm>> -> memref<1x128xi32, #tpu.memory_space<hbm>>
    %dma_start3A_49 = arith.constant 0 : i32
    %dma_start3A_50 = arith.constant 0 : i32
    %dma_start3A_51 = tpu.memref_slice %arg6[%dma_start3A_40, %dma_start3A_49, %dma_start3A_50] : memref<3x1x128xi32, #tpu.memory_space<vmem>> -> memref<1x1x128xi32, #tpu.memory_space<vmem>>
    %dma_start3A_52 = tpu.memref_squeeze %dma_start3A_51 : memref<1x1x128xi32, #tpu.memory_space<vmem>> -> memref<1x128xi32, #tpu.memory_space<vmem>>
    %dma_start3A_53 = arith.constant 0 : i32
    %dma_start3A_54 = arith.constant 0 : i32
    %dma_start3A_55 = tpu.memref_slice %arg3[%add3A_39, %dma_start3A_53, %dma_start3A_54] : memref<2500x1x128xi32, #tpu.memory_space<hbm>> -> memref<1x1x128xi32, #tpu.memory_space<hbm>>
    %dma_start3A_56 = tpu.memref_squeeze %dma_start3A_55 : memref<1x1x128xi32, #tpu.memory_space<hbm>> -> memref<1x128xi32, #tpu.memory_space<hbm>>
    tpu.enqueue_dma source(%dma_start3A_56 : memref<1x128xi32, #tpu.memory_space<hbm>>) target(%dma_start3A_52 : memref<1x128xi32, #tpu.memory_space<vmem>>) target_semaphore(%arg10 : memref<!tpu.dma_semaphore, #tpu.memory_space<semaphore_mem>>)
    %mul3A_57 = arith.constant 128 : i32
    %mul3A_58 = arith.muli %add3A_39, %mul3A_57 : i32
    %dma_start3A_59 = arith.constant 1 : i32
    %dma_start3A_60 = arith.constant 0 : i32
    %dma_start3A_61 = arith.constant 0 : i32
    %dma_start3A_62 = tpu.memref_slice %arg7[%dma_start3A_59, %dma_start3A_60, %dma_start3A_61] : memref<3x128x128xf32, #tpu.memory_space<vmem>> -> memref<1x128x128xf32, #tpu.memory_space<vmem>>
    %dma_start3A_63 = tpu.memref_squeeze %dma_start3A_62 : memref<1x128x128xf32, #tpu.memory_space<vmem>> -> memref<128x128xf32, #tpu.memory_space<vmem>>
    %dma_start3A_64 = arith.constant 0 : i32
    %dma_start3A_65 = tpu.memref_slice %arg2[%mul3A_58, %dma_start3A_64] : memref<320000x128xf32, #tpu.memory_space<hbm>> -> memref<128x128xf32, #tpu.memory_space<hbm>>
    %dma_start3A_66 = arith.constant 0 : i32
    %dma_start3A_67 = arith.constant 0 : i32
    %dma_start3A_68 = tpu.memref_slice %arg7[%dma_start3A_59, %dma_start3A_66, %dma_start3A_67] : memref<3x128x128xf32, #tpu.memory_space<vmem>> -> memref<1x128x128xf32, #tpu.memory_space<vmem>>
    %dma_start3A_69 = tpu.memref_squeeze %dma_start3A_68 : memref<1x128x128xf32, #tpu.memory_space<vmem>> -> memref<128x128xf32, #tpu.memory_space<vmem>>
    %dma_start3A_70 = arith.constant 0 : i32
    %dma_start3A_71 = tpu.memref_slice %arg2[%mul3A_58, %dma_start3A_70] : memref<320000x128xf32, #tpu.memory_space<hbm>> -> memref<128x128xf32, #tpu.memory_space<hbm>>
    tpu.enqueue_dma source(%dma_start3A_71 : memref<128x128xf32, #tpu.memory_space<hbm>>) target(%dma_start3A_69 : memref<128x128xf32, #tpu.memory_space<vmem>>) target_semaphore(%arg10 : memref<!tpu.dma_semaphore, #tpu.memory_space<semaphore_mem>>)
    %add3A_72 = arith.constant 2 : i32
    %add3A_73 = arith.addi %add3A_4, %add3A_72 : i32
    %dma_start3A_74 = arith.constant 2 : i32
    %dma_start3A_75 = arith.constant 0 : i32
    %dma_start3A_76 = arith.constant 0 : i32
    %dma_start3A_77 = tpu.memref_slice %arg6[%dma_start3A_74, %dma_start3A_75, %dma_start3A_76] : memref<3x1x128xi32, #tpu.memory_space<vmem>> -> memref<1x1x128xi32, #tpu.memory_space<vmem>>
    %dma_start3A_78 = tpu.memref_squeeze %dma_start3A_77 : memref<1x1x128xi32, #tpu.memory_space<vmem>> -> memref<1x128xi32, #tpu.memory_space<vmem>>
    %dma_start3A_79 = arith.constant 0 : i32
    %dma_start3A_80 = arith.constant 0 : i32
    %dma_start3A_81 = tpu.memref_slice %arg3[%add3A_73, %dma_start3A_79, %dma_start3A_80] : memref<2500x1x128xi32, #tpu.memory_space<hbm>> -> memref<1x1x128xi32, #tpu.memory_space<hbm>>
    %dma_start3A_82 = tpu.memref_squeeze %dma_start3A_81 : memref<1x1x128xi32, #tpu.memory_space<hbm>> -> memref<1x128xi32, #tpu.memory_space<hbm>>
    %dma_start3A_83 = arith.constant 0 : i32
    %dma_start3A_84 = arith.constant 0 : i32
    %dma_start3A_85 = tpu.memref_slice %arg6[%dma_start3A_74, %dma_start3A_83, %dma_start3A_84] : memref<3x1x128xi32, #tpu.memory_space<vmem>> -> memref<1x1x128xi32, #tpu.memory_space<vmem>>
    %dma_start3A_86 = tpu.memref_squeeze %dma_start3A_85 : memref<1x1x128xi32, #tpu.memory_space<vmem>> -> memref<1x128xi32, #tpu.memory_space<vmem>>
    %dma_start3A_87 = arith.constant 0 : i32
    %dma_start3A_88 = arith.constant 0 : i32
    %dma_start3A_89 = tpu.memref_slice %arg3[%add3A_73, %dma_start3A_87, %dma_start3A_88] : memref<2500x1x128xi32, #tpu.memory_space<hbm>> -> memref<1x1x128xi32, #tpu.memory_space<hbm>>
    %dma_start3A_90 = tpu.memref_squeeze %dma_start3A_89 : memref<1x1x128xi32, #tpu.memory_space<hbm>> -> memref<1x128xi32, #tpu.memory_space<hbm>>
    tpu.enqueue_dma source(%dma_start3A_90 : memref<1x128xi32, #tpu.memory_space<hbm>>) target(%dma_start3A_86 : memref<1x128xi32, #tpu.memory_space<vmem>>) target_semaphore(%arg11 : memref<!tpu.dma_semaphore, #tpu.memory_space<semaphore_mem>>)
    %mul3A_91 = arith.constant 128 : i32
    %mul3A_92 = arith.muli %add3A_73, %mul3A_91 : i32
    %dma_start3A_93 = arith.constant 2 : i32
    %dma_start3A_94 = arith.constant 0 : i32
    %dma_start3A_95 = arith.constant 0 : i32
    %dma_start3A_96 = tpu.memref_slice %arg7[%dma_start3A_93, %dma_start3A_94, %dma_start3A_95] : memref<3x128x128xf32, #tpu.memory_space<vmem>> -> memref<1x128x128xf32, #tpu.memory_space<vmem>>
    %dma_start3A_97 = tpu.memref_squeeze %dma_start3A_96 : memref<1x128x128xf32, #tpu.memory_space<vmem>> -> memref<128x128xf32, #tpu.memory_space<vmem>>
    %dma_start3A_98 = arith.constant 0 : i32
    %dma_start3A_99 = tpu.memref_slice %arg2[%mul3A_92, %dma_start3A_98] : memref<320000x128xf32, #tpu.memory_space<hbm>> -> memref<128x128xf32, #tpu.memory_space<hbm>>
    %dma_start3A_100 = arith.constant 0 : i32
    %dma_start3A_101 = arith.constant 0 : i32
    %dma_start3A_102 = tpu.memref_slice %arg7[%dma_start3A_93, %dma_start3A_100, %dma_start3A_101] : memref<3x128x128xf32, #tpu.memory_space<vmem>> -> memref<1x128x128xf32, #tpu.memory_space<vmem>>
    %dma_start3A_103 = tpu.memref_squeeze %dma_start3A_102 : memref<1x128x128xf32, #tpu.memory_space<vmem>> -> memref<128x128xf32, #tpu.memory_space<vmem>>
    %dma_start3A_104 = arith.constant 0 : i32
    %dma_start3A_105 = tpu.memref_slice %arg2[%mul3A_92, %dma_start3A_104] : memref<320000x128xf32, #tpu.memory_space<hbm>> -> memref<128x128xf32, #tpu.memory_space<hbm>>
    tpu.enqueue_dma source(%dma_start3A_105 : memref<128x128xf32, #tpu.memory_space<hbm>>) target(%dma_start3A_103 : memref<128x128xf32, #tpu.memory_space<vmem>>) target_semaphore(%arg11 : memref<!tpu.dma_semaphore, #tpu.memory_space<semaphore_mem>>)
    %lt3A = arith.constant 15 : i32
    %lt3A_106 = arith.cmpi slt, %arg1, %lt3A : i32
    %convert_element_type3A = arith.extui %lt3A_106 : i1 to i32
    %cond3A = arith.constant 0 : i32
    %cond3A_107 = arith.cmpi ne, %convert_element_type3A, %cond3A : i32
    scf.if %cond3A_107 {
      %mul3A_239 = arith.constant 632 : i32
      %mul3A_240 = arith.muli %arg1, %mul3A_239 : i32
      "tpu.region"() ({
        %run_scoped3A_241 = tpu.sem_alloc : memref<!tpu.dma_semaphore, #tpu.memory_space<semaphore_mem>>
        %dma_start3A_242 = arith.constant 0 : i32
        %dma_start3A_243 = tpu.memref_slice %arg8[%mul3A_240, %dma_start3A_242] : memref<10000x128xf32, #tpu.memory_space<vmem_shared>> -> memref<632x128xf32, #tpu.memory_space<vmem_shared>>
        %dma_start3A_244 = arith.constant 0 : i32
        %dma_start3A_245 = arith.constant 0 : i32
        %dma_start3A_246 = tpu.memref_slice %arg4[%dma_start3A_244, %dma_start3A_245] : memref<632x128xf32, #tpu.memory_space<hbm>> -> memref<632x128xf32, #tpu.memory_space<hbm>>
        tpu.enqueue_dma source(%dma_start3A_246 : memref<632x128xf32, #tpu.memory_space<hbm>>) target(%dma_start3A_243 : memref<632x128xf32, #tpu.memory_space<vmem_shared>>) target_semaphore(%run_scoped3A_241 : memref<!tpu.dma_semaphore, #tpu.memory_space<semaphore_mem>>)
        %dma_wait3A_247 = arith.constant 0 : i32
        %dma_wait3A_248 = tpu.memref_slice %arg8[%mul3A_240, %dma_wait3A_247] : memref<10000x128xf32, #tpu.memory_space<vmem_shared>> -> memref<632x128xf32, #tpu.memory_space<vmem_shared>>
        %dma_wait3A_249 = arith.constant 0 : i32
        %dma_wait3A_250 = arith.constant 0 : i32
        %dma_wait3A_251 = tpu.memref_slice %arg4[%dma_wait3A_249, %dma_wait3A_250] : memref<632x128xf32, #tpu.memory_space<hbm>> -> memref<632x128xf32, #tpu.memory_space<hbm>>
        tpu.wait_dma2 semaphore(%run_scoped3A_241 : memref<!tpu.dma_semaphore, #tpu.memory_space<semaphore_mem>>) src(%dma_wait3A_251 : memref<632x128xf32, #tpu.memory_space<hbm>>) dst(%dma_wait3A_248 : memref<632x128xf32, #tpu.memory_space<vmem_shared>>)
        tpu.yield
      }) : () -> ()
    } else {
    }
    %eq3A = arith.constant 15 : i32
    %eq3A_108 = arith.cmpi eq, %arg1, %eq3A : i32
    %convert_element_type3A_109 = arith.extui %eq3A_108 : i1 to i32
    %cond3A_110 = arith.constant 0 : i32
    %cond3A_111 = arith.cmpi ne, %convert_element_type3A_109, %cond3A_110 : i32
    scf.if %cond3A_111 {
      "tpu.region"() ({
        %run_scoped3A_239 = tpu.sem_alloc : memref<!tpu.dma_semaphore, #tpu.memory_space<semaphore_mem>>
        %dma_start3A_240 = arith.constant 9480 : i32
        %dma_start3A_241 = arith.constant 0 : i32
        %dma_start3A_242 = tpu.memref_slice %arg8[%dma_start3A_240, %dma_start3A_241] : memref<10000x128xf32, #tpu.memory_space<vmem_shared>> -> memref<520x128xf32, #tpu.memory_space<vmem_shared>>
        %dma_start3A_243 = arith.constant 0 : i32
        %dma_start3A_244 = arith.constant 0 : i32
        %dma_start3A_245 = tpu.memref_slice %arg4[%dma_start3A_243, %dma_start3A_244] : memref<632x128xf32, #tpu.memory_space<hbm>> -> memref<520x128xf32, #tpu.memory_space<hbm>>
        tpu.enqueue_dma source(%dma_start3A_245 : memref<520x128xf32, #tpu.memory_space<hbm>>) target(%dma_start3A_242 : memref<520x128xf32, #tpu.memory_space<vmem_shared>>) target_semaphore(%run_scoped3A_239 : memref<!tpu.dma_semaphore, #tpu.memory_space<semaphore_mem>>)
        %dma_wait3A_246 = arith.constant 9480 : i32
        %dma_wait3A_247 = arith.constant 0 : i32
        %dma_wait3A_248 = tpu.memref_slice %arg8[%dma_wait3A_246, %dma_wait3A_247] : memref<10000x128xf32, #tpu.memory_space<vmem_shared>> -> memref<520x128xf32, #tpu.memory_space<vmem_shared>>
        %dma_wait3A_249 = arith.constant 0 : i32
        %dma_wait3A_250 = arith.constant 0 : i32
        %dma_wait3A_251 = tpu.memref_slice %arg4[%dma_wait3A_249, %dma_wait3A_250] : memref<632x128xf32, #tpu.memory_space<hbm>> -> memref<520x128xf32, #tpu.memory_space<hbm>>
        tpu.wait_dma2 semaphore(%run_scoped3A_239 : memref<!tpu.dma_semaphore, #tpu.memory_space<semaphore_mem>>) src(%dma_wait3A_251 : memref<520x128xf32, #tpu.memory_space<hbm>>) dst(%dma_wait3A_248 : memref<520x128xf32, #tpu.memory_space<vmem_shared>>)
        tpu.yield
      }) : () -> ()
    } else {
    }
    %barrier3A = arith.constant 0 : index
    tpu.barrier barrier_id(%barrier3A)
    %scan3A = arith.constant 0 : i32
    %scan3A_112 = arith.constant 0 : i32
    %scan3A_113 = arith.constant 25 : i32
    %scan3A_114 = arith.addi %scan3A_112, %scan3A_113 : i32
    %scan3A_115 = arith.constant 1 : i32
    scf.for %scan3A_239 = %scan3A_112 to %scan3A_114 step %scan3A_115  : i32 {
      %mul3A_240 = arith.constant 3 : i32
      %mul3A_241 = arith.muli %scan3A_239, %mul3A_240 : i32
      %add3A_242 = arith.constant 0 : i32
      %add3A_243 = arith.addi %mul3A_241, %add3A_242 : i32
      %dma_wait3A_244 = arith.constant 0 : i32
      %dma_wait3A_245 = arith.constant 0 : i32
      %dma_wait3A_246 = arith.constant 0 : i32
      %dma_wait3A_247 = arith.constant 0 : i32
      %dma_wait3A_248 = tpu.memref_slice %arg6[%dma_wait3A_245, %dma_wait3A_246, %dma_wait3A_247] : memref<3x1x128xi32, #tpu.memory_space<vmem>> -> memref<1x1x128xi32, #tpu.memory_space<vmem>>
      %dma_wait3A_249 = tpu.memref_squeeze %dma_wait3A_248 : memref<1x1x128xi32, #tpu.memory_space<vmem>> -> memref<1x128xi32, #tpu.memory_space<vmem>>
      %dma_wait3A_250 = arith.constant 0 : i32
      %dma_wait3A_251 = arith.constant 0 : i32
      %dma_wait3A_252 = tpu.memref_slice %arg3[%dma_wait3A_244, %dma_wait3A_250, %dma_wait3A_251] : memref<2500x1x128xi32, #tpu.memory_space<hbm>> -> memref<1x1x128xi32, #tpu.memory_space<hbm>>
      %dma_wait3A_253 = tpu.memref_squeeze %dma_wait3A_252 : memref<1x1x128xi32, #tpu.memory_space<hbm>> -> memref<1x128xi32, #tpu.memory_space<hbm>>
      %dma_wait3A_254 = arith.constant 0 : i32
      %dma_wait3A_255 = arith.constant 0 : i32
      %dma_wait3A_256 = tpu.memref_slice %arg6[%dma_wait3A_245, %dma_wait3A_254, %dma_wait3A_255] : memref<3x1x128xi32, #tpu.memory_space<vmem>> -> memref<1x1x128xi32, #tpu.memory_space<vmem>>
      %dma_wait3A_257 = tpu.memref_squeeze %dma_wait3A_256 : memref<1x1x128xi32, #tpu.memory_space<vmem>> -> memref<1x128xi32, #tpu.memory_space<vmem>>
      %dma_wait3A_258 = arith.constant 0 : i32
      %dma_wait3A_259 = arith.constant 0 : i32
      %dma_wait3A_260 = tpu.memref_slice %arg3[%dma_wait3A_244, %dma_wait3A_258, %dma_wait3A_259] : memref<2500x1x128xi32, #tpu.memory_space<hbm>> -> memref<1x1x128xi32, #tpu.memory_space<hbm>>
      %dma_wait3A_261 = tpu.memref_squeeze %dma_wait3A_260 : memref<1x1x128xi32, #tpu.memory_space<hbm>> -> memref<1x128xi32, #tpu.memory_space<hbm>>
      tpu.wait_dma2 semaphore(%arg9 : memref<!tpu.dma_semaphore, #tpu.memory_space<semaphore_mem>>) src(%dma_wait3A_261 : memref<1x128xi32, #tpu.memory_space<hbm>>) dst(%dma_wait3A_257 : memref<1x128xi32, #tpu.memory_space<vmem>>)
      %dma_wait3A_262 = arith.constant 0 : i32
      %dma_wait3A_263 = arith.constant 0 : i32
      %dma_wait3A_264 = arith.constant 0 : i32
      %dma_wait3A_265 = tpu.memref_slice %arg7[%dma_wait3A_262, %dma_wait3A_263, %dma_wait3A_264] : memref<3x128x128xf32, #tpu.memory_space<vmem>> -> memref<1x128x128xf32, #tpu.memory_space<vmem>>
      %dma_wait3A_266 = tpu.memref_squeeze %dma_wait3A_265 : memref<1x128x128xf32, #tpu.memory_space<vmem>> -> memref<128x128xf32, #tpu.memory_space<vmem>>
      %dma_wait3A_267 = arith.constant 0 : i32
      %dma_wait3A_268 = arith.constant 0 : i32
      %dma_wait3A_269 = tpu.memref_slice %arg2[%dma_wait3A_267, %dma_wait3A_268] : memref<320000x128xf32, #tpu.memory_space<hbm>> -> memref<128x128xf32, #tpu.memory_space<hbm>>
      %dma_wait3A_270 = arith.constant 0 : i32
      %dma_wait3A_271 = arith.constant 0 : i32
      %dma_wait3A_272 = tpu.memref_slice %arg7[%dma_wait3A_262, %dma_wait3A_270, %dma_wait3A_271] : memref<3x128x128xf32, #tpu.memory_space<vmem>> -> memref<1x128x128xf32, #tpu.memory_space<vmem>>
      %dma_wait3A_273 = tpu.memref_squeeze %dma_wait3A_272 : memref<1x128x128xf32, #tpu.memory_space<vmem>> -> memref<128x128xf32, #tpu.memory_space<vmem>>
      %dma_wait3A_274 = arith.constant 0 : i32
      %dma_wait3A_275 = arith.constant 0 : i32
      %dma_wait3A_276 = tpu.memref_slice %arg2[%dma_wait3A_274, %dma_wait3A_275] : memref<320000x128xf32, #tpu.memory_space<hbm>> -> memref<128x128xf32, #tpu.memory_space<hbm>>
      tpu.wait_dma2 semaphore(%arg9 : memref<!tpu.dma_semaphore, #tpu.memory_space<semaphore_mem>>) src(%dma_wait3A_276 : memref<128x128xf32, #tpu.memory_space<hbm>>) dst(%dma_wait3A_273 : memref<128x128xf32, #tpu.memory_space<vmem>>)
      %run_scoped3A_277 = arith.constant 0 : i32
      %run_scoped3A_278 = arith.constant 0 : i32
      %run_scoped3A_279 = arith.constant 0 : i32
      "tpu.region"() ({
        %run_scoped3A_465 = tpu.sem_alloc : memref<!tpu.dma_semaphore, #tpu.memory_space<semaphore_mem>>
        %dma_start3A_466 = arith.constant 0 : i32
        %dma_start3A_467 = arith.constant 0 : i32
        %dma_start3A_468 = tpu.memref_slice %arg7[%run_scoped3A_277, %dma_start3A_466, %dma_start3A_467] : memref<3x128x128xf32, #tpu.memory_space<vmem>> -> memref<1x128x128xf32, #tpu.memory_space<vmem>>
        %dma_start3A_469 = tpu.memref_squeeze %dma_start3A_468 : memref<1x128x128xf32, #tpu.memory_space<vmem>> -> memref<128x128xf32, #tpu.memory_space<vmem>>
        %dma_start3A_470 = arith.constant 0 : i32
        %dma_start3A_471 = tpu.memref_slice %arg6[%run_scoped3A_278, %run_scoped3A_279, %dma_start3A_470] : memref<3x1x128xi32, #tpu.memory_space<vmem>> -> memref<1x1x128xi32, #tpu.memory_space<vmem>>
        %dma_start3A_472 = tpu.memref_squeeze %dma_start3A_471 : memref<1x1x128xi32, #tpu.memory_space<vmem>> -> memref<128xi32, #tpu.memory_space<vmem>>
        %dma_start3A_473 = arith.constant 0 : i32
        %dma_start3A_474 = arith.constant 0 : i32
        %dma_start3A_475 = tpu.memref_slice %arg8[%dma_start3A_473, %dma_start3A_474] : memref<10000x128xf32, #tpu.memory_space<vmem_shared>> -> memref<10000x128xf32, #tpu.memory_space<vmem_shared>>
        tpu.enqueue_indirect_dma source(%dma_start3A_469 : memref<128x128xf32, #tpu.memory_space<vmem>>) target(%dma_start3A_475 : memref<10000x128xf32, #tpu.memory_space<vmem_shared>>) offsets(%dma_start3A_472 : memref<128xi32, #tpu.memory_space<vmem>>) semaphore(%run_scoped3A_465 : memref<!tpu.dma_semaphore, #tpu.memory_space<semaphore_mem>>) {add = true}
        %dma_wait3A_476 = arith.constant 0 : i32
        %dma_wait3A_477 = arith.constant 0 : i32
        %dma_wait3A_478 = tpu.memref_slice %arg7[%run_scoped3A_277, %dma_wait3A_476, %dma_wait3A_477] : memref<3x128x128xf32, #tpu.memory_space<vmem>> -> memref<1x128x128xf32, #tpu.memory_space<vmem>>
        %dma_wait3A_479 = tpu.memref_squeeze %dma_wait3A_478 : memref<1x128x128xf32, #tpu.memory_space<vmem>> -> memref<128x128xf32, #tpu.memory_space<vmem>>
        %dma_wait3A_480 = arith.constant 0 : i32
        %dma_wait3A_481 = tpu.memref_slice %arg6[%run_scoped3A_278, %run_scoped3A_279, %dma_wait3A_480] : memref<3x1x128xi32, #tpu.memory_space<vmem>> -> memref<1x1x128xi32, #tpu.memory_space<vmem>>
        %dma_wait3A_482 = tpu.memref_squeeze %dma_wait3A_481 : memref<1x1x128xi32, #tpu.memory_space<vmem>> -> memref<128xi32, #tpu.memory_space<vmem>>
        %dma_wait3A_483 = arith.constant 0 : i32
        %dma_wait3A_484 = arith.constant 0 : i32
        %dma_wait3A_485 = tpu.memref_slice %arg8[%dma_wait3A_483, %dma_wait3A_484] : memref<10000x128xf32, #tpu.memory_space<vmem_shared>> -> memref<10000x128xf32, #tpu.memory_space<vmem_shared>>
        tpu.wait_indirect_dma semaphore(%run_scoped3A_465 : memref<!tpu.dma_semaphore, #tpu.memory_space<semaphore_mem>>) src(%dma_wait3A_479 : memref<128x128xf32, #tpu.memory_space<vmem>>) dst(%dma_wait3A_485 : memref<10000x128xf32, #tpu.memory_space<vmem_shared>>)
        tpu.yield
      }) : () -> ()
      %add3A_280 = arith.addi %add3A_4, %add3A_243 : i32
      %add3A_281 = arith.constant 3 : i32
      %add3A_282 = arith.addi %add3A_280, %add3A_281 : i32
      %dma_start3A_283 = arith.constant 0 : i32
      %dma_start3A_284 = arith.constant 0 : i32
      %dma_start3A_285 = arith.constant 0 : i32
      %dma_start3A_286 = tpu.memref_slice %arg6[%dma_start3A_283, %dma_start3A_284, %dma_start3A_285] : memref<3x1x128xi32, #tpu.memory_space<vmem>> -> memref<1x1x128xi32, #tpu.memory_space<vmem>>
      %dma_start3A_287 = tpu.memref_squeeze %dma_start3A_286 : memref<1x1x128xi32, #tpu.memory_space<vmem>> -> memref<1x128xi32, #tpu.memory_space<vmem>>
      %dma_start3A_288 = arith.constant 0 : i32
      %dma_start3A_289 = arith.constant 0 : i32
      %dma_start3A_290 = tpu.memref_slice %arg3[%add3A_282, %dma_start3A_288, %dma_start3A_289] : memref<2500x1x128xi32, #tpu.memory_space<hbm>> -> memref<1x1x128xi32, #tpu.memory_space<hbm>>
      %dma_start3A_291 = tpu.memref_squeeze %dma_start3A_290 : memref<1x1x128xi32, #tpu.memory_space<hbm>> -> memref<1x128xi32, #tpu.memory_space<hbm>>
      %dma_start3A_292 = arith.constant 0 : i32
      %dma_start3A_293 = arith.constant 0 : i32
      %dma_start3A_294 = tpu.memref_slice %arg6[%dma_start3A_283, %dma_start3A_292, %dma_start3A_293] : memref<3x1x128xi32, #tpu.memory_space<vmem>> -> memref<1x1x128xi32, #tpu.memory_space<vmem>>
      %dma_start3A_295 = tpu.memref_squeeze %dma_start3A_294 : memref<1x1x128xi32, #tpu.memory_space<vmem>> -> memref<1x128xi32, #tpu.memory_space<vmem>>
      %dma_start3A_296 = arith.constant 0 : i32
      %dma_start3A_297 = arith.constant 0 : i32
      %dma_start3A_298 = tpu.memref_slice %arg3[%add3A_282, %dma_start3A_296, %dma_start3A_297] : memref<2500x1x128xi32, #tpu.memory_space<hbm>> -> memref<1x1x128xi32, #tpu.memory_space<hbm>>
      %dma_start3A_299 = tpu.memref_squeeze %dma_start3A_298 : memref<1x1x128xi32, #tpu.memory_space<hbm>> -> memref<1x128xi32, #tpu.memory_space<hbm>>
      tpu.enqueue_dma source(%dma_start3A_299 : memref<1x128xi32, #tpu.memory_space<hbm>>) target(%dma_start3A_295 : memref<1x128xi32, #tpu.memory_space<vmem>>) target_semaphore(%arg9 : memref<!tpu.dma_semaphore, #tpu.memory_space<semaphore_mem>>)
      %mul3A_300 = arith.constant 128 : i32
      %mul3A_301 = arith.muli %add3A_282, %mul3A_300 : i32
      %dma_start3A_302 = arith.constant 0 : i32
      %dma_start3A_303 = arith.constant 0 : i32
      %dma_start3A_304 = arith.constant 0 : i32
      %dma_start3A_305 = tpu.memref_slice %arg7[%dma_start3A_302, %dma_start3A_303, %dma_start3A_304] : memref<3x128x128xf32, #tpu.memory_space<vmem>> -> memref<1x128x128xf32, #tpu.memory_space<vmem>>
      %dma_start3A_306 = tpu.memref_squeeze %dma_start3A_305 : memref<1x128x128xf32, #tpu.memory_space<vmem>> -> memref<128x128xf32, #tpu.memory_space<vmem>>
      %dma_start3A_307 = arith.constant 0 : i32
      %dma_start3A_308 = tpu.memref_slice %arg2[%mul3A_301, %dma_start3A_307] : memref<320000x128xf32, #tpu.memory_space<hbm>> -> memref<128x128xf32, #tpu.memory_space<hbm>>
      %dma_start3A_309 = arith.constant 0 : i32
      %dma_start3A_310 = arith.constant 0 : i32
      %dma_start3A_311 = tpu.memref_slice %arg7[%dma_start3A_302, %dma_start3A_309, %dma_start3A_310] : memref<3x128x128xf32, #tpu.memory_space<vmem>> -> memref<1x128x128xf32, #tpu.memory_space<vmem>>
      %dma_start3A_312 = tpu.memref_squeeze %dma_start3A_311 : memref<1x128x128xf32, #tpu.memory_space<vmem>> -> memref<128x128xf32, #tpu.memory_space<vmem>>
      %dma_start3A_313 = arith.constant 0 : i32
      %dma_start3A_314 = tpu.memref_slice %arg2[%mul3A_301, %dma_start3A_313] : memref<320000x128xf32, #tpu.memory_space<hbm>> -> memref<128x128xf32, #tpu.memory_space<hbm>>
      tpu.enqueue_dma source(%dma_start3A_314 : memref<128x128xf32, #tpu.memory_space<hbm>>) target(%dma_start3A_312 : memref<128x128xf32, #tpu.memory_space<vmem>>) target_semaphore(%arg9 : memref<!tpu.dma_semaphore, #tpu.memory_space<semaphore_mem>>)
      %mul3A_315 = arith.constant 3 : i32
      %mul3A_316 = arith.muli %scan3A_239, %mul3A_315 : i32
      %add3A_317 = arith.constant 1 : i32
      %add3A_318 = arith.addi %mul3A_316, %add3A_317 : i32
      %dma_wait3A_319 = arith.constant 0 : i32
      %dma_wait3A_320 = arith.constant 1 : i32
      %dma_wait3A_321 = arith.constant 0 : i32
      %dma_wait3A_322 = arith.constant 0 : i32
      %dma_wait3A_323 = tpu.memref_slice %arg6[%dma_wait3A_320, %dma_wait3A_321, %dma_wait3A_322] : memref<3x1x128xi32, #tpu.memory_space<vmem>> -> memref<1x1x128xi32, #tpu.memory_space<vmem>>
      %dma_wait3A_324 = tpu.memref_squeeze %dma_wait3A_323 : memref<1x1x128xi32, #tpu.memory_space<vmem>> -> memref<1x128xi32, #tpu.memory_space<vmem>>
      %dma_wait3A_325 = arith.constant 0 : i32
      %dma_wait3A_326 = arith.constant 0 : i32
      %dma_wait3A_327 = tpu.memref_slice %arg3[%dma_wait3A_319, %dma_wait3A_325, %dma_wait3A_326] : memref<2500x1x128xi32, #tpu.memory_space<hbm>> -> memref<1x1x128xi32, #tpu.memory_space<hbm>>
      %dma_wait3A_328 = tpu.memref_squeeze %dma_wait3A_327 : memref<1x1x128xi32, #tpu.memory_space<hbm>> -> memref<1x128xi32, #tpu.memory_space<hbm>>
      %dma_wait3A_329 = arith.constant 0 : i32
      %dma_wait3A_330 = arith.constant 0 : i32
      %dma_wait3A_331 = tpu.memref_slice %arg6[%dma_wait3A_320, %dma_wait3A_329, %dma_wait3A_330] : memref<3x1x128xi32, #tpu.memory_space<vmem>> -> memref<1x1x128xi32, #tpu.memory_space<vmem>>
      %dma_wait3A_332 = tpu.memref_squeeze %dma_wait3A_331 : memref<1x1x128xi32, #tpu.memory_space<vmem>> -> memref<1x128xi32, #tpu.memory_space<vmem>>
      %dma_wait3A_333 = arith.constant 0 : i32
      %dma_wait3A_334 = arith.constant 0 : i32
      %dma_wait3A_335 = tpu.memref_slice %arg3[%dma_wait3A_319, %dma_wait3A_333, %dma_wait3A_334] : memref<2500x1x128xi32, #tpu.memory_space<hbm>> -> memref<1x1x128xi32, #tpu.memory_space<hbm>>
      %dma_wait3A_336 = tpu.memref_squeeze %dma_wait3A_335 : memref<1x1x128xi32, #tpu.memory_space<hbm>> -> memref<1x128xi32, #tpu.memory_space<hbm>>
      tpu.wait_dma2 semaphore(%arg10 : memref<!tpu.dma_semaphore, #tpu.memory_space<semaphore_mem>>) src(%dma_wait3A_336 : memref<1x128xi32, #tpu.memory_space<hbm>>) dst(%dma_wait3A_332 : memref<1x128xi32, #tpu.memory_space<vmem>>)
      %dma_wait3A_337 = arith.constant 1 : i32
      %dma_wait3A_338 = arith.constant 0 : i32
      %dma_wait3A_339 = arith.constant 0 : i32
      %dma_wait3A_340 = tpu.memref_slice %arg7[%dma_wait3A_337, %dma_wait3A_338, %dma_wait3A_339] : memref<3x128x128xf32, #tpu.memory_space<vmem>> -> memref<1x128x128xf32, #tpu.memory_space<vmem>>
      %dma_wait3A_341 = tpu.memref_squeeze %dma_wait3A_340 : memref<1x128x128xf32, #tpu.memory_space<vmem>> -> memref<128x128xf32, #tpu.memory_space<vmem>>
      %dma_wait3A_342 = arith.constant 0 : i32
      %dma_wait3A_343 = arith.constant 0 : i32
      %dma_wait3A_344 = tpu.memref_slice %arg2[%dma_wait3A_342, %dma_wait3A_343] : memref<320000x128xf32, #tpu.memory_space<hbm>> -> memref<128x128xf32, #tpu.memory_space<hbm>>
      %dma_wait3A_345 = arith.constant 0 : i32
      %dma_wait3A_346 = arith.constant 0 : i32
      %dma_wait3A_347 = tpu.memref_slice %arg7[%dma_wait3A_337, %dma_wait3A_345, %dma_wait3A_346] : memref<3x128x128xf32, #tpu.memory_space<vmem>> -> memref<1x128x128xf32, #tpu.memory_space<vmem>>
      %dma_wait3A_348 = tpu.memref_squeeze %dma_wait3A_347 : memref<1x128x128xf32, #tpu.memory_space<vmem>> -> memref<128x128xf32, #tpu.memory_space<vmem>>
      %dma_wait3A_349 = arith.constant 0 : i32
      %dma_wait3A_350 = arith.constant 0 : i32
      %dma_wait3A_351 = tpu.memref_slice %arg2[%dma_wait3A_349, %dma_wait3A_350] : memref<320000x128xf32, #tpu.memory_space<hbm>> -> memref<128x128xf32, #tpu.memory_space<hbm>>
      tpu.wait_dma2 semaphore(%arg10 : memref<!tpu.dma_semaphore, #tpu.memory_space<semaphore_mem>>) src(%dma_wait3A_351 : memref<128x128xf32, #tpu.memory_space<hbm>>) dst(%dma_wait3A_348 : memref<128x128xf32, #tpu.memory_space<vmem>>)
      %run_scoped3A_352 = arith.constant 1 : i32
      %run_scoped3A_353 = arith.constant 1 : i32
      %run_scoped3A_354 = arith.constant 0 : i32
      "tpu.region"() ({
        %run_scoped3A_465 = tpu.sem_alloc : memref<!tpu.dma_semaphore, #tpu.memory_space<semaphore_mem>>
        %dma_start3A_466 = arith.constant 0 : i32
        %dma_start3A_467 = arith.constant 0 : i32
        %dma_start3A_468 = tpu.memref_slice %arg7[%run_scoped3A_352, %dma_start3A_466, %dma_start3A_467] : memref<3x128x128xf32, #tpu.memory_space<vmem>> -> memref<1x128x128xf32, #tpu.memory_space<vmem>>
        %dma_start3A_469 = tpu.memref_squeeze %dma_start3A_468 : memref<1x128x128xf32, #tpu.memory_space<vmem>> -> memref<128x128xf32, #tpu.memory_space<vmem>>
        %dma_start3A_470 = arith.constant 0 : i32
        %dma_start3A_471 = tpu.memref_slice %arg6[%run_scoped3A_353, %run_scoped3A_354, %dma_start3A_470] : memref<3x1x128xi32, #tpu.memory_space<vmem>> -> memref<1x1x128xi32, #tpu.memory_space<vmem>>
        %dma_start3A_472 = tpu.memref_squeeze %dma_start3A_471 : memref<1x1x128xi32, #tpu.memory_space<vmem>> -> memref<128xi32, #tpu.memory_space<vmem>>
        %dma_start3A_473 = arith.constant 0 : i32
        %dma_start3A_474 = arith.constant 0 : i32
        %dma_start3A_475 = tpu.memref_slice %arg8[%dma_start3A_473, %dma_start3A_474] : memref<10000x128xf32, #tpu.memory_space<vmem_shared>> -> memref<10000x128xf32, #tpu.memory_space<vmem_shared>>
        tpu.enqueue_indirect_dma source(%dma_start3A_469 : memref<128x128xf32, #tpu.memory_space<vmem>>) target(%dma_start3A_475 : memref<10000x128xf32, #tpu.memory_space<vmem_shared>>) offsets(%dma_start3A_472 : memref<128xi32, #tpu.memory_space<vmem>>) semaphore(%run_scoped3A_465 : memref<!tpu.dma_semaphore, #tpu.memory_space<semaphore_mem>>) {add = true}
        %dma_wait3A_476 = arith.constant 0 : i32
        %dma_wait3A_477 = arith.constant 0 : i32
        %dma_wait3A_478 = tpu.memref_slice %arg7[%run_scoped3A_352, %dma_wait3A_476, %dma_wait3A_477] : memref<3x128x128xf32, #tpu.memory_space<vmem>> -> memref<1x128x128xf32, #tpu.memory_space<vmem>>
        %dma_wait3A_479 = tpu.memref_squeeze %dma_wait3A_478 : memref<1x128x128xf32, #tpu.memory_space<vmem>> -> memref<128x128xf32, #tpu.memory_space<vmem>>
        %dma_wait3A_480 = arith.constant 0 : i32
        %dma_wait3A_481 = tpu.memref_slice %arg6[%run_scoped3A_353, %run_scoped3A_354, %dma_wait3A_480] : memref<3x1x128xi32, #tpu.memory_space<vmem>> -> memref<1x1x128xi32, #tpu.memory_space<vmem>>
        %dma_wait3A_482 = tpu.memref_squeeze %dma_wait3A_481 : memref<1x1x128xi32, #tpu.memory_space<vmem>> -> memref<128xi32, #tpu.memory_space<vmem>>
        %dma_wait3A_483 = arith.constant 0 : i32
        %dma_wait3A_484 = arith.constant 0 : i32
        %dma_wait3A_485 = tpu.memref_slice %arg8[%dma_wait3A_483, %dma_wait3A_484] : memref<10000x128xf32, #tpu.memory_space<vmem_shared>> -> memref<10000x128xf32, #tpu.memory_space<vmem_shared>>
        tpu.wait_indirect_dma semaphore(%run_scoped3A_465 : memref<!tpu.dma_semaphore, #tpu.memory_space<semaphore_mem>>) src(%dma_wait3A_479 : memref<128x128xf32, #tpu.memory_space<vmem>>) dst(%dma_wait3A_485 : memref<10000x128xf32, #tpu.memory_space<vmem_shared>>)
        tpu.yield
      }) : () -> ()
      %add3A_355 = arith.addi %add3A_4, %add3A_318 : i32
      %add3A_356 = arith.constant 3 : i32
      %add3A_357 = arith.addi %add3A_355, %add3A_356 : i32
      %dma_start3A_358 = arith.constant 1 : i32
      %dma_start3A_359 = arith.constant 0 : i32
      %dma_start3A_360 = arith.constant 0 : i32
      %dma_start3A_361 = tpu.memref_slice %arg6[%dma_start3A_358, %dma_start3A_359, %dma_start3A_360] : memref<3x1x128xi32, #tpu.memory_space<vmem>> -> memref<1x1x128xi32, #tpu.memory_space<vmem>>
      %dma_start3A_362 = tpu.memref_squeeze %dma_start3A_361 : memref<1x1x128xi32, #tpu.memory_space<vmem>> -> memref<1x128xi32, #tpu.memory_space<vmem>>
      %dma_start3A_363 = arith.constant 0 : i32
      %dma_start3A_364 = arith.constant 0 : i32
      %dma_start3A_365 = tpu.memref_slice %arg3[%add3A_357, %dma_start3A_363, %dma_start3A_364] : memref<2500x1x128xi32, #tpu.memory_space<hbm>> -> memref<1x1x128xi32, #tpu.memory_space<hbm>>
      %dma_start3A_366 = tpu.memref_squeeze %dma_start3A_365 : memref<1x1x128xi32, #tpu.memory_space<hbm>> -> memref<1x128xi32, #tpu.memory_space<hbm>>
      %dma_start3A_367 = arith.constant 0 : i32
      %dma_start3A_368 = arith.constant 0 : i32
      %dma_start3A_369 = tpu.memref_slice %arg6[%dma_start3A_358, %dma_start3A_367, %dma_start3A_368] : memref<3x1x128xi32, #tpu.memory_space<vmem>> -> memref<1x1x128xi32, #tpu.memory_space<vmem>>
      %dma_start3A_370 = tpu.memref_squeeze %dma_start3A_369 : memref<1x1x128xi32, #tpu.memory_space<vmem>> -> memref<1x128xi32, #tpu.memory_space<vmem>>
      %dma_start3A_371 = arith.constant 0 : i32
      %dma_start3A_372 = arith.constant 0 : i32
      %dma_start3A_373 = tpu.memref_slice %arg3[%add3A_357, %dma_start3A_371, %dma_start3A_372] : memref<2500x1x128xi32, #tpu.memory_space<hbm>> -> memref<1x1x128xi32, #tpu.memory_space<hbm>>
      %dma_start3A_374 = tpu.memref_squeeze %dma_start3A_373 : memref<1x1x128xi32, #tpu.memory_space<hbm>> -> memref<1x128xi32, #tpu.memory_space<hbm>>
      tpu.enqueue_dma source(%dma_start3A_374 : memref<1x128xi32, #tpu.memory_space<hbm>>) target(%dma_start3A_370 : memref<1x128xi32, #tpu.memory_space<vmem>>) target_semaphore(%arg10 : memref<!tpu.dma_semaphore, #tpu.memory_space<semaphore_mem>>)
      %mul3A_375 = arith.constant 128 : i32
      %mul3A_376 = arith.muli %add3A_357, %mul3A_375 : i32
      %dma_start3A_377 = arith.constant 1 : i32
      %dma_start3A_378 = arith.constant 0 : i32
      %dma_start3A_379 = arith.constant 0 : i32
      %dma_start3A_380 = tpu.memref_slice %arg7[%dma_start3A_377, %dma_start3A_378, %dma_start3A_379] : memref<3x128x128xf32, #tpu.memory_space<vmem>> -> memref<1x128x128xf32, #tpu.memory_space<vmem>>
      %dma_start3A_381 = tpu.memref_squeeze %dma_start3A_380 : memref<1x128x128xf32, #tpu.memory_space<vmem>> -> memref<128x128xf32, #tpu.memory_space<vmem>>
      %dma_start3A_382 = arith.constant 0 : i32
      %dma_start3A_383 = tpu.memref_slice %arg2[%mul3A_376, %dma_start3A_382] : memref<320000x128xf32, #tpu.memory_space<hbm>> -> memref<128x128xf32, #tpu.memory_space<hbm>>
      %dma_start3A_384 = arith.constant 0 : i32
      %dma_start3A_385 = arith.constant 0 : i32
      %dma_start3A_386 = tpu.memref_slice %arg7[%dma_start3A_377, %dma_start3A_384, %dma_start3A_385] : memref<3x128x128xf32, #tpu.memory_space<vmem>> -> memref<1x128x128xf32, #tpu.memory_space<vmem>>
      %dma_start3A_387 = tpu.memref_squeeze %dma_start3A_386 : memref<1x128x128xf32, #tpu.memory_space<vmem>> -> memref<128x128xf32, #tpu.memory_space<vmem>>
      %dma_start3A_388 = arith.constant 0 : i32
      %dma_start3A_389 = tpu.memref_slice %arg2[%mul3A_376, %dma_start3A_388] : memref<320000x128xf32, #tpu.memory_space<hbm>> -> memref<128x128xf32, #tpu.memory_space<hbm>>
      tpu.enqueue_dma source(%dma_start3A_389 : memref<128x128xf32, #tpu.memory_space<hbm>>) target(%dma_start3A_387 : memref<128x128xf32, #tpu.memory_space<vmem>>) target_semaphore(%arg10 : memref<!tpu.dma_semaphore, #tpu.memory_space<semaphore_mem>>)
      %mul3A_390 = arith.constant 3 : i32
      %mul3A_391 = arith.muli %scan3A_239, %mul3A_390 : i32
      %add3A_392 = arith.constant 2 : i32
      %add3A_393 = arith.addi %mul3A_391, %add3A_392 : i32
      %dma_wait3A_394 = arith.constant 0 : i32
      %dma_wait3A_395 = arith.constant 2 : i32
      %dma_wait3A_396 = arith.constant 0 : i32
      %dma_wait3A_397 = arith.constant 0 : i32
      %dma_wait3A_398 = tpu.memref_slice %arg6[%dma_wait3A_395, %dma_wait3A_396, %dma_wait3A_397] : memref<3x1x128xi32, #tpu.memory_space<vmem>> -> memref<1x1x128xi32, #tpu.memory_space<vmem>>
      %dma_wait3A_399 = tpu.memref_squeeze %dma_wait3A_398 : memref<1x1x128xi32, #tpu.memory_space<vmem>> -> memref<1x128xi32, #tpu.memory_space<vmem>>
      %dma_wait3A_400 = arith.constant 0 : i32
      %dma_wait3A_401 = arith.constant 0 : i32
      %dma_wait3A_402 = tpu.memref_slice %arg3[%dma_wait3A_394, %dma_wait3A_400, %dma_wait3A_401] : memref<2500x1x128xi32, #tpu.memory_space<hbm>> -> memref<1x1x128xi32, #tpu.memory_space<hbm>>
      %dma_wait3A_403 = tpu.memref_squeeze %dma_wait3A_402 : memref<1x1x128xi32, #tpu.memory_space<hbm>> -> memref<1x128xi32, #tpu.memory_space<hbm>>
      %dma_wait3A_404 = arith.constant 0 : i32
      %dma_wait3A_405 = arith.constant 0 : i32
      %dma_wait3A_406 = tpu.memref_slice %arg6[%dma_wait3A_395, %dma_wait3A_404, %dma_wait3A_405] : memref<3x1x128xi32, #tpu.memory_space<vmem>> -> memref<1x1x128xi32, #tpu.memory_space<vmem>>
      %dma_wait3A_407 = tpu.memref_squeeze %dma_wait3A_406 : memref<1x1x128xi32, #tpu.memory_space<vmem>> -> memref<1x128xi32, #tpu.memory_space<vmem>>
      %dma_wait3A_408 = arith.constant 0 : i32
      %dma_wait3A_409 = arith.constant 0 : i32
      %dma_wait3A_410 = tpu.memref_slice %arg3[%dma_wait3A_394, %dma_wait3A_408, %dma_wait3A_409] : memref<2500x1x128xi32, #tpu.memory_space<hbm>> -> memref<1x1x128xi32, #tpu.memory_space<hbm>>
      %dma_wait3A_411 = tpu.memref_squeeze %dma_wait3A_410 : memref<1x1x128xi32, #tpu.memory_space<hbm>> -> memref<1x128xi32, #tpu.memory_space<hbm>>
      tpu.wait_dma2 semaphore(%arg11 : memref<!tpu.dma_semaphore, #tpu.memory_space<semaphore_mem>>) src(%dma_wait3A_411 : memref<1x128xi32, #tpu.memory_space<hbm>>) dst(%dma_wait3A_407 : memref<1x128xi32, #tpu.memory_space<vmem>>)
      %dma_wait3A_412 = arith.constant 2 : i32
      %dma_wait3A_413 = arith.constant 0 : i32
      %dma_wait3A_414 = arith.constant 0 : i32
      %dma_wait3A_415 = tpu.memref_slice %arg7[%dma_wait3A_412, %dma_wait3A_413, %dma_wait3A_414] : memref<3x128x128xf32, #tpu.memory_space<vmem>> -> memref<1x128x128xf32, #tpu.memory_space<vmem>>
      %dma_wait3A_416 = tpu.memref_squeeze %dma_wait3A_415 : memref<1x128x128xf32, #tpu.memory_space<vmem>> -> memref<128x128xf32, #tpu.memory_space<vmem>>
      %dma_wait3A_417 = arith.constant 0 : i32
      %dma_wait3A_418 = arith.constant 0 : i32
      %dma_wait3A_419 = tpu.memref_slice %arg2[%dma_wait3A_417, %dma_wait3A_418] : memref<320000x128xf32, #tpu.memory_space<hbm>> -> memref<128x128xf32, #tpu.memory_space<hbm>>
      %dma_wait3A_420 = arith.constant 0 : i32
      %dma_wait3A_421 = arith.constant 0 : i32
      %dma_wait3A_422 = tpu.memref_slice %arg7[%dma_wait3A_412, %dma_wait3A_420, %dma_wait3A_421] : memref<3x128x128xf32, #tpu.memory_space<vmem>> -> memref<1x128x128xf32, #tpu.memory_space<vmem>>
      %dma_wait3A_423 = tpu.memref_squeeze %dma_wait3A_422 : memref<1x128x128xf32, #tpu.memory_space<vmem>> -> memref<128x128xf32, #tpu.memory_space<vmem>>
      %dma_wait3A_424 = arith.constant 0 : i32
      %dma_wait3A_425 = arith.constant 0 : i32
      %dma_wait3A_426 = tpu.memref_slice %arg2[%dma_wait3A_424, %dma_wait3A_425] : memref<320000x128xf32, #tpu.memory_space<hbm>> -> memref<128x128xf32, #tpu.memory_space<hbm>>
      tpu.wait_dma2 semaphore(%arg11 : memref<!tpu.dma_semaphore, #tpu.memory_space<semaphore_mem>>) src(%dma_wait3A_426 : memref<128x128xf32, #tpu.memory_space<hbm>>) dst(%dma_wait3A_423 : memref<128x128xf32, #tpu.memory_space<vmem>>)
      %run_scoped3A_427 = arith.constant 2 : i32
      %run_scoped3A_428 = arith.constant 2 : i32
      %run_scoped3A_429 = arith.constant 0 : i32
      "tpu.region"() ({
        %run_scoped3A_465 = tpu.sem_alloc : memref<!tpu.dma_semaphore, #tpu.memory_space<semaphore_mem>>
        %dma_start3A_466 = arith.constant 0 : i32
        %dma_start3A_467 = arith.constant 0 : i32
        %dma_start3A_468 = tpu.memref_slice %arg7[%run_scoped3A_427, %dma_start3A_466, %dma_start3A_467] : memref<3x128x128xf32, #tpu.memory_space<vmem>> -> memref<1x128x128xf32, #tpu.memory_space<vmem>>
        %dma_start3A_469 = tpu.memref_squeeze %dma_start3A_468 : memref<1x128x128xf32, #tpu.memory_space<vmem>> -> memref<128x128xf32, #tpu.memory_space<vmem>>
        %dma_start3A_470 = arith.constant 0 : i32
        %dma_start3A_471 = tpu.memref_slice %arg6[%run_scoped3A_428, %run_scoped3A_429, %dma_start3A_470] : memref<3x1x128xi32, #tpu.memory_space<vmem>> -> memref<1x1x128xi32, #tpu.memory_space<vmem>>
        %dma_start3A_472 = tpu.memref_squeeze %dma_start3A_471 : memref<1x1x128xi32, #tpu.memory_space<vmem>> -> memref<128xi32, #tpu.memory_space<vmem>>
        %dma_start3A_473 = arith.constant 0 : i32
        %dma_start3A_474 = arith.constant 0 : i32
        %dma_start3A_475 = tpu.memref_slice %arg8[%dma_start3A_473, %dma_start3A_474] : memref<10000x128xf32, #tpu.memory_space<vmem_shared>> -> memref<10000x128xf32, #tpu.memory_space<vmem_shared>>
        tpu.enqueue_indirect_dma source(%dma_start3A_469 : memref<128x128xf32, #tpu.memory_space<vmem>>) target(%dma_start3A_475 : memref<10000x128xf32, #tpu.memory_space<vmem_shared>>) offsets(%dma_start3A_472 : memref<128xi32, #tpu.memory_space<vmem>>) semaphore(%run_scoped3A_465 : memref<!tpu.dma_semaphore, #tpu.memory_space<semaphore_mem>>) {add = true}
        %dma_wait3A_476 = arith.constant 0 : i32
        %dma_wait3A_477 = arith.constant 0 : i32
        %dma_wait3A_478 = tpu.memref_slice %arg7[%run_scoped3A_427, %dma_wait3A_476, %dma_wait3A_477] : memref<3x128x128xf32, #tpu.memory_space<vmem>> -> memref<1x128x128xf32, #tpu.memory_space<vmem>>
        %dma_wait3A_479 = tpu.memref_squeeze %dma_wait3A_478 : memref<1x128x128xf32, #tpu.memory_space<vmem>> -> memref<128x128xf32, #tpu.memory_space<vmem>>
        %dma_wait3A_480 = arith.constant 0 : i32
        %dma_wait3A_481 = tpu.memref_slice %arg6[%run_scoped3A_428, %run_scoped3A_429, %dma_wait3A_480] : memref<3x1x128xi32, #tpu.memory_space<vmem>> -> memref<1x1x128xi32, #tpu.memory_space<vmem>>
        %dma_wait3A_482 = tpu.memref_squeeze %dma_wait3A_481 : memref<1x1x128xi32, #tpu.memory_space<vmem>> -> memref<128xi32, #tpu.memory_space<vmem>>
        %dma_wait3A_483 = arith.constant 0 : i32
        %dma_wait3A_484 = arith.constant 0 : i32
        %dma_wait3A_485 = tpu.memref_slice %arg8[%dma_wait3A_483, %dma_wait3A_484] : memref<10000x128xf32, #tpu.memory_space<vmem_shared>> -> memref<10000x128xf32, #tpu.memory_space<vmem_shared>>
        tpu.wait_indirect_dma semaphore(%run_scoped3A_465 : memref<!tpu.dma_semaphore, #tpu.memory_space<semaphore_mem>>) src(%dma_wait3A_479 : memref<128x128xf32, #tpu.memory_space<vmem>>) dst(%dma_wait3A_485 : memref<10000x128xf32, #tpu.memory_space<vmem_shared>>)
        tpu.yield
      }) : () -> ()
      %add3A_430 = arith.addi %add3A_4, %add3A_393 : i32
      %add3A_431 = arith.constant 3 : i32
      %add3A_432 = arith.addi %add3A_430, %add3A_431 : i32
      %dma_start3A_433 = arith.constant 2 : i32
      %dma_start3A_434 = arith.constant 0 : i32
      %dma_start3A_435 = arith.constant 0 : i32
      %dma_start3A_436 = tpu.memref_slice %arg6[%dma_start3A_433, %dma_start3A_434, %dma_start3A_435] : memref<3x1x128xi32, #tpu.memory_space<vmem>> -> memref<1x1x128xi32, #tpu.memory_space<vmem>>
      %dma_start3A_437 = tpu.memref_squeeze %dma_start3A_436 : memref<1x1x128xi32, #tpu.memory_space<vmem>> -> memref<1x128xi32, #tpu.memory_space<vmem>>
      %dma_start3A_438 = arith.constant 0 : i32
      %dma_start3A_439 = arith.constant 0 : i32
      %dma_start3A_440 = tpu.memref_slice %arg3[%add3A_432, %dma_start3A_438, %dma_start3A_439] : memref<2500x1x128xi32, #tpu.memory_space<hbm>> -> memref<1x1x128xi32, #tpu.memory_space<hbm>>
      %dma_start3A_441 = tpu.memref_squeeze %dma_start3A_440 : memref<1x1x128xi32, #tpu.memory_space<hbm>> -> memref<1x128xi32, #tpu.memory_space<hbm>>
      %dma_start3A_442 = arith.constant 0 : i32
      %dma_start3A_443 = arith.constant 0 : i32
      %dma_start3A_444 = tpu.memref_slice %arg6[%dma_start3A_433, %dma_start3A_442, %dma_start3A_443] : memref<3x1x128xi32, #tpu.memory_space<vmem>> -> memref<1x1x128xi32, #tpu.memory_space<vmem>>
      %dma_start3A_445 = tpu.memref_squeeze %dma_start3A_444 : memref<1x1x128xi32, #tpu.memory_space<vmem>> -> memref<1x128xi32, #tpu.memory_space<vmem>>
      %dma_start3A_446 = arith.constant 0 : i32
      %dma_start3A_447 = arith.constant 0 : i32
      %dma_start3A_448 = tpu.memref_slice %arg3[%add3A_432, %dma_start3A_446, %dma_start3A_447] : memref<2500x1x128xi32, #tpu.memory_space<hbm>> -> memref<1x1x128xi32, #tpu.memory_space<hbm>>
      %dma_start3A_449 = tpu.memref_squeeze %dma_start3A_448 : memref<1x1x128xi32, #tpu.memory_space<hbm>> -> memref<1x128xi32, #tpu.memory_space<hbm>>
      tpu.enqueue_dma source(%dma_start3A_449 : memref<1x128xi32, #tpu.memory_space<hbm>>) target(%dma_start3A_445 : memref<1x128xi32, #tpu.memory_space<vmem>>) target_semaphore(%arg11 : memref<!tpu.dma_semaphore, #tpu.memory_space<semaphore_mem>>)
      %mul3A_450 = arith.constant 128 : i32
      %mul3A_451 = arith.muli %add3A_432, %mul3A_450 : i32
      %dma_start3A_452 = arith.constant 2 : i32
      %dma_start3A_453 = arith.constant 0 : i32
      %dma_start3A_454 = arith.constant 0 : i32
      %dma_start3A_455 = tpu.memref_slice %arg7[%dma_start3A_452, %dma_start3A_453, %dma_start3A_454] : memref<3x128x128xf32, #tpu.memory_space<vmem>> -> memref<1x128x128xf32, #tpu.memory_space<vmem>>
      %dma_start3A_456 = tpu.memref_squeeze %dma_start3A_455 : memref<1x128x128xf32, #tpu.memory_space<vmem>> -> memref<128x128xf32, #tpu.memory_space<vmem>>
      %dma_start3A_457 = arith.constant 0 : i32
      %dma_start3A_458 = tpu.memref_slice %arg2[%mul3A_451, %dma_start3A_457] : memref<320000x128xf32, #tpu.memory_space<hbm>> -> memref<128x128xf32, #tpu.memory_space<hbm>>
      %dma_start3A_459 = arith.constant 0 : i32
      %dma_start3A_460 = arith.constant 0 : i32
      %dma_start3A_461 = tpu.memref_slice %arg7[%dma_start3A_452, %dma_start3A_459, %dma_start3A_460] : memref<3x128x128xf32, #tpu.memory_space<vmem>> -> memref<1x128x128xf32, #tpu.memory_space<vmem>>
      %dma_start3A_462 = tpu.memref_squeeze %dma_start3A_461 : memref<1x128x128xf32, #tpu.memory_space<vmem>> -> memref<128x128xf32, #tpu.memory_space<vmem>>
      %dma_start3A_463 = arith.constant 0 : i32
      %dma_start3A_464 = tpu.memref_slice %arg2[%mul3A_451, %dma_start3A_463] : memref<320000x128xf32, #tpu.memory_space<hbm>> -> memref<128x128xf32, #tpu.memory_space<hbm>>
      tpu.enqueue_dma source(%dma_start3A_464 : memref<128x128xf32, #tpu.memory_space<hbm>>) target(%dma_start3A_462 : memref<128x128xf32, #tpu.memory_space<vmem>>) target_semaphore(%arg11 : memref<!tpu.dma_semaphore, #tpu.memory_space<semaphore_mem>>)
    }
    %scan3A_116 = arith.constant 25 : i32
    %dma_wait3A = arith.constant 0 : i32
    %dma_wait3A_117 = arith.constant 0 : i32
    %dma_wait3A_118 = arith.constant 0 : i32
    %dma_wait3A_119 = arith.constant 0 : i32
    %dma_wait3A_120 = tpu.memref_slice %arg6[%dma_wait3A_117, %dma_wait3A_118, %dma_wait3A_119] : memref<3x1x128xi32, #tpu.memory_space<vmem>> -> memref<1x1x128xi32, #tpu.memory_space<vmem>>
    %dma_wait3A_121 = tpu.memref_squeeze %dma_wait3A_120 : memref<1x1x128xi32, #tpu.memory_space<vmem>> -> memref<1x128xi32, #tpu.memory_space<vmem>>
    %dma_wait3A_122 = arith.constant 0 : i32
    %dma_wait3A_123 = arith.constant 0 : i32
    %dma_wait3A_124 = tpu.memref_slice %arg3[%dma_wait3A, %dma_wait3A_122, %dma_wait3A_123] : memref<2500x1x128xi32, #tpu.memory_space<hbm>> -> memref<1x1x128xi32, #tpu.memory_space<hbm>>
    %dma_wait3A_125 = tpu.memref_squeeze %dma_wait3A_124 : memref<1x1x128xi32, #tpu.memory_space<hbm>> -> memref<1x128xi32, #tpu.memory_space<hbm>>
    %dma_wait3A_126 = arith.constant 0 : i32
    %dma_wait3A_127 = arith.constant 0 : i32
    %dma_wait3A_128 = tpu.memref_slice %arg6[%dma_wait3A_117, %dma_wait3A_126, %dma_wait3A_127] : memref<3x1x128xi32, #tpu.memory_space<vmem>> -> memref<1x1x128xi32, #tpu.memory_space<vmem>>
    %dma_wait3A_129 = tpu.memref_squeeze %dma_wait3A_128 : memref<1x1x128xi32, #tpu.memory_space<vmem>> -> memref<1x128xi32, #tpu.memory_space<vmem>>
    %dma_wait3A_130 = arith.constant 0 : i32
    %dma_wait3A_131 = arith.constant 0 : i32
    %dma_wait3A_132 = tpu.memref_slice %arg3[%dma_wait3A, %dma_wait3A_130, %dma_wait3A_131] : memref<2500x1x128xi32, #tpu.memory_space<hbm>> -> memref<1x1x128xi32, #tpu.memory_space<hbm>>
    %dma_wait3A_133 = tpu.memref_squeeze %dma_wait3A_132 : memref<1x1x128xi32, #tpu.memory_space<hbm>> -> memref<1x128xi32, #tpu.memory_space<hbm>>
    tpu.wait_dma2 semaphore(%arg9 : memref<!tpu.dma_semaphore, #tpu.memory_space<semaphore_mem>>) src(%dma_wait3A_133 : memref<1x128xi32, #tpu.memory_space<hbm>>) dst(%dma_wait3A_129 : memref<1x128xi32, #tpu.memory_space<vmem>>)
    %dma_wait3A_134 = arith.constant 0 : i32
    %dma_wait3A_135 = arith.constant 0 : i32
    %dma_wait3A_136 = arith.constant 0 : i32
    %dma_wait3A_137 = tpu.memref_slice %arg7[%dma_wait3A_134, %dma_wait3A_135, %dma_wait3A_136] : memref<3x128x128xf32, #tpu.memory_space<vmem>> -> memref<1x128x128xf32, #tpu.memory_space<vmem>>
    %dma_wait3A_138 = tpu.memref_squeeze %dma_wait3A_137 : memref<1x128x128xf32, #tpu.memory_space<vmem>> -> memref<128x128xf32, #tpu.memory_space<vmem>>
    %dma_wait3A_139 = arith.constant 0 : i32
    %dma_wait3A_140 = arith.constant 0 : i32
    %dma_wait3A_141 = tpu.memref_slice %arg2[%dma_wait3A_139, %dma_wait3A_140] : memref<320000x128xf32, #tpu.memory_space<hbm>> -> memref<128x128xf32, #tpu.memory_space<hbm>>
    %dma_wait3A_142 = arith.constant 0 : i32
    %dma_wait3A_143 = arith.constant 0 : i32
    %dma_wait3A_144 = tpu.memref_slice %arg7[%dma_wait3A_134, %dma_wait3A_142, %dma_wait3A_143] : memref<3x128x128xf32, #tpu.memory_space<vmem>> -> memref<1x128x128xf32, #tpu.memory_space<vmem>>
    %dma_wait3A_145 = tpu.memref_squeeze %dma_wait3A_144 : memref<1x128x128xf32, #tpu.memory_space<vmem>> -> memref<128x128xf32, #tpu.memory_space<vmem>>
    %dma_wait3A_146 = arith.constant 0 : i32
    %dma_wait3A_147 = arith.constant 0 : i32
    %dma_wait3A_148 = tpu.memref_slice %arg2[%dma_wait3A_146, %dma_wait3A_147] : memref<320000x128xf32, #tpu.memory_space<hbm>> -> memref<128x128xf32, #tpu.memory_space<hbm>>
    tpu.wait_dma2 semaphore(%arg9 : memref<!tpu.dma_semaphore, #tpu.memory_space<semaphore_mem>>) src(%dma_wait3A_148 : memref<128x128xf32, #tpu.memory_space<hbm>>) dst(%dma_wait3A_145 : memref<128x128xf32, #tpu.memory_space<vmem>>)
    %run_scoped3A = arith.constant 0 : i32
    %run_scoped3A_149 = arith.constant 0 : i32
    %run_scoped3A_150 = arith.constant 0 : i32
    "tpu.region"() ({
      %run_scoped3A_239 = tpu.sem_alloc : memref<!tpu.dma_semaphore, #tpu.memory_space<semaphore_mem>>
      %dma_start3A_240 = arith.constant 0 : i32
      %dma_start3A_241 = arith.constant 0 : i32
      %dma_start3A_242 = tpu.memref_slice %arg7[%run_scoped3A, %dma_start3A_240, %dma_start3A_241] : memref<3x128x128xf32, #tpu.memory_space<vmem>> -> memref<1x128x128xf32, #tpu.memory_space<vmem>>
      %dma_start3A_243 = tpu.memref_squeeze %dma_start3A_242 : memref<1x128x128xf32, #tpu.memory_space<vmem>> -> memref<128x128xf32, #tpu.memory_space<vmem>>
      %dma_start3A_244 = arith.constant 0 : i32
      %dma_start3A_245 = tpu.memref_slice %arg6[%run_scoped3A_149, %run_scoped3A_150, %dma_start3A_244] : memref<3x1x128xi32, #tpu.memory_space<vmem>> -> memref<1x1x128xi32, #tpu.memory_space<vmem>>
      %dma_start3A_246 = tpu.memref_squeeze %dma_start3A_245 : memref<1x1x128xi32, #tpu.memory_space<vmem>> -> memref<128xi32, #tpu.memory_space<vmem>>
      %dma_start3A_247 = arith.constant 0 : i32
      %dma_start3A_248 = arith.constant 0 : i32
      %dma_start3A_249 = tpu.memref_slice %arg8[%dma_start3A_247, %dma_start3A_248] : memref<10000x128xf32, #tpu.memory_space<vmem_shared>> -> memref<10000x128xf32, #tpu.memory_space<vmem_shared>>
      tpu.enqueue_indirect_dma source(%dma_start3A_243 : memref<128x128xf32, #tpu.memory_space<vmem>>) target(%dma_start3A_249 : memref<10000x128xf32, #tpu.memory_space<vmem_shared>>) offsets(%dma_start3A_246 : memref<128xi32, #tpu.memory_space<vmem>>) semaphore(%run_scoped3A_239 : memref<!tpu.dma_semaphore, #tpu.memory_space<semaphore_mem>>) {add = true}
      %dma_wait3A_250 = arith.constant 0 : i32
      %dma_wait3A_251 = arith.constant 0 : i32
      %dma_wait3A_252 = tpu.memref_slice %arg7[%run_scoped3A, %dma_wait3A_250, %dma_wait3A_251] : memref<3x128x128xf32, #tpu.memory_space<vmem>> -> memref<1x128x128xf32, #tpu.memory_space<vmem>>
      %dma_wait3A_253 = tpu.memref_squeeze %dma_wait3A_252 : memref<1x128x128xf32, #tpu.memory_space<vmem>> -> memref<128x128xf32, #tpu.memory_space<vmem>>
      %dma_wait3A_254 = arith.constant 0 : i32
      %dma_wait3A_255 = tpu.memref_slice %arg6[%run_scoped3A_149, %run_scoped3A_150, %dma_wait3A_254] : memref<3x1x128xi32, #tpu.memory_space<vmem>> -> memref<1x1x128xi32, #tpu.memory_space<vmem>>
      %dma_wait3A_256 = tpu.memref_squeeze %dma_wait3A_255 : memref<1x1x128xi32, #tpu.memory_space<vmem>> -> memref<128xi32, #tpu.memory_space<vmem>>
      %dma_wait3A_257 = arith.constant 0 : i32
      %dma_wait3A_258 = arith.constant 0 : i32
      %dma_wait3A_259 = tpu.memref_slice %arg8[%dma_wait3A_257, %dma_wait3A_258] : memref<10000x128xf32, #tpu.memory_space<vmem_shared>> -> memref<10000x128xf32, #tpu.memory_space<vmem_shared>>
      tpu.wait_indirect_dma semaphore(%run_scoped3A_239 : memref<!tpu.dma_semaphore, #tpu.memory_space<semaphore_mem>>) src(%dma_wait3A_253 : memref<128x128xf32, #tpu.memory_space<vmem>>) dst(%dma_wait3A_259 : memref<10000x128xf32, #tpu.memory_space<vmem_shared>>)
      tpu.yield
    }) : () -> ()
    %dma_wait3A_151 = arith.constant 0 : i32
    %dma_wait3A_152 = arith.constant 1 : i32
    %dma_wait3A_153 = arith.constant 0 : i32
    %dma_wait3A_154 = arith.constant 0 : i32
    %dma_wait3A_155 = tpu.memref_slice %arg6[%dma_wait3A_152, %dma_wait3A_153, %dma_wait3A_154] : memref<3x1x128xi32, #tpu.memory_space<vmem>> -> memref<1x1x128xi32, #tpu.memory_space<vmem>>
    %dma_wait3A_156 = tpu.memref_squeeze %dma_wait3A_155 : memref<1x1x128xi32, #tpu.memory_space<vmem>> -> memref<1x128xi32, #tpu.memory_space<vmem>>
    %dma_wait3A_157 = arith.constant 0 : i32
    %dma_wait3A_158 = arith.constant 0 : i32
    %dma_wait3A_159 = tpu.memref_slice %arg3[%dma_wait3A_151, %dma_wait3A_157, %dma_wait3A_158] : memref<2500x1x128xi32, #tpu.memory_space<hbm>> -> memref<1x1x128xi32, #tpu.memory_space<hbm>>
    %dma_wait3A_160 = tpu.memref_squeeze %dma_wait3A_159 : memref<1x1x128xi32, #tpu.memory_space<hbm>> -> memref<1x128xi32, #tpu.memory_space<hbm>>
    %dma_wait3A_161 = arith.constant 0 : i32
    %dma_wait3A_162 = arith.constant 0 : i32
    %dma_wait3A_163 = tpu.memref_slice %arg6[%dma_wait3A_152, %dma_wait3A_161, %dma_wait3A_162] : memref<3x1x128xi32, #tpu.memory_space<vmem>> -> memref<1x1x128xi32, #tpu.memory_space<vmem>>
    %dma_wait3A_164 = tpu.memref_squeeze %dma_wait3A_163 : memref<1x1x128xi32, #tpu.memory_space<vmem>> -> memref<1x128xi32, #tpu.memory_space<vmem>>
    %dma_wait3A_165 = arith.constant 0 : i32
    %dma_wait3A_166 = arith.constant 0 : i32
    %dma_wait3A_167 = tpu.memref_slice %arg3[%dma_wait3A_151, %dma_wait3A_165, %dma_wait3A_166] : memref<2500x1x128xi32, #tpu.memory_space<hbm>> -> memref<1x1x128xi32, #tpu.memory_space<hbm>>
    %dma_wait3A_168 = tpu.memref_squeeze %dma_wait3A_167 : memref<1x1x128xi32, #tpu.memory_space<hbm>> -> memref<1x128xi32, #tpu.memory_space<hbm>>
    tpu.wait_dma2 semaphore(%arg10 : memref<!tpu.dma_semaphore, #tpu.memory_space<semaphore_mem>>) src(%dma_wait3A_168 : memref<1x128xi32, #tpu.memory_space<hbm>>) dst(%dma_wait3A_164 : memref<1x128xi32, #tpu.memory_space<vmem>>)
    %dma_wait3A_169 = arith.constant 1 : i32
    %dma_wait3A_170 = arith.constant 0 : i32
    %dma_wait3A_171 = arith.constant 0 : i32
    %dma_wait3A_172 = tpu.memref_slice %arg7[%dma_wait3A_169, %dma_wait3A_170, %dma_wait3A_171] : memref<3x128x128xf32, #tpu.memory_space<vmem>> -> memref<1x128x128xf32, #tpu.memory_space<vmem>>
    %dma_wait3A_173 = tpu.memref_squeeze %dma_wait3A_172 : memref<1x128x128xf32, #tpu.memory_space<vmem>> -> memref<128x128xf32, #tpu.memory_space<vmem>>
    %dma_wait3A_174 = arith.constant 0 : i32
    %dma_wait3A_175 = arith.constant 0 : i32
    %dma_wait3A_176 = tpu.memref_slice %arg2[%dma_wait3A_174, %dma_wait3A_175] : memref<320000x128xf32, #tpu.memory_space<hbm>> -> memref<128x128xf32, #tpu.memory_space<hbm>>
    %dma_wait3A_177 = arith.constant 0 : i32
    %dma_wait3A_178 = arith.constant 0 : i32
    %dma_wait3A_179 = tpu.memref_slice %arg7[%dma_wait3A_169, %dma_wait3A_177, %dma_wait3A_178] : memref<3x128x128xf32, #tpu.memory_space<vmem>> -> memref<1x128x128xf32, #tpu.memory_space<vmem>>
    %dma_wait3A_180 = tpu.memref_squeeze %dma_wait3A_179 : memref<1x128x128xf32, #tpu.memory_space<vmem>> -> memref<128x128xf32, #tpu.memory_space<vmem>>
    %dma_wait3A_181 = arith.constant 0 : i32
    %dma_wait3A_182 = arith.constant 0 : i32
    %dma_wait3A_183 = tpu.memref_slice %arg2[%dma_wait3A_181, %dma_wait3A_182] : memref<320000x128xf32, #tpu.memory_space<hbm>> -> memref<128x128xf32, #tpu.memory_space<hbm>>
    tpu.wait_dma2 semaphore(%arg10 : memref<!tpu.dma_semaphore, #tpu.memory_space<semaphore_mem>>) src(%dma_wait3A_183 : memref<128x128xf32, #tpu.memory_space<hbm>>) dst(%dma_wait3A_180 : memref<128x128xf32, #tpu.memory_space<vmem>>)
    %run_scoped3A_184 = arith.constant 1 : i32
    %run_scoped3A_185 = arith.constant 1 : i32
    %run_scoped3A_186 = arith.constant 0 : i32
    "tpu.region"() ({
      %run_scoped3A_239 = tpu.sem_alloc : memref<!tpu.dma_semaphore, #tpu.memory_space<semaphore_mem>>
      %dma_start3A_240 = arith.constant 0 : i32
      %dma_start3A_241 = arith.constant 0 : i32
      %dma_start3A_242 = tpu.memref_slice %arg7[%run_scoped3A_184, %dma_start3A_240, %dma_start3A_241] : memref<3x128x128xf32, #tpu.memory_space<vmem>> -> memref<1x128x128xf32, #tpu.memory_space<vmem>>
      %dma_start3A_243 = tpu.memref_squeeze %dma_start3A_242 : memref<1x128x128xf32, #tpu.memory_space<vmem>> -> memref<128x128xf32, #tpu.memory_space<vmem>>
      %dma_start3A_244 = arith.constant 0 : i32
      %dma_start3A_245 = tpu.memref_slice %arg6[%run_scoped3A_185, %run_scoped3A_186, %dma_start3A_244] : memref<3x1x128xi32, #tpu.memory_space<vmem>> -> memref<1x1x128xi32, #tpu.memory_space<vmem>>
      %dma_start3A_246 = tpu.memref_squeeze %dma_start3A_245 : memref<1x1x128xi32, #tpu.memory_space<vmem>> -> memref<128xi32, #tpu.memory_space<vmem>>
      %dma_start3A_247 = arith.constant 0 : i32
      %dma_start3A_248 = arith.constant 0 : i32
      %dma_start3A_249 = tpu.memref_slice %arg8[%dma_start3A_247, %dma_start3A_248] : memref<10000x128xf32, #tpu.memory_space<vmem_shared>> -> memref<10000x128xf32, #tpu.memory_space<vmem_shared>>
      tpu.enqueue_indirect_dma source(%dma_start3A_243 : memref<128x128xf32, #tpu.memory_space<vmem>>) target(%dma_start3A_249 : memref<10000x128xf32, #tpu.memory_space<vmem_shared>>) offsets(%dma_start3A_246 : memref<128xi32, #tpu.memory_space<vmem>>) semaphore(%run_scoped3A_239 : memref<!tpu.dma_semaphore, #tpu.memory_space<semaphore_mem>>) {add = true}
      %dma_wait3A_250 = arith.constant 0 : i32
      %dma_wait3A_251 = arith.constant 0 : i32
      %dma_wait3A_252 = tpu.memref_slice %arg7[%run_scoped3A_184, %dma_wait3A_250, %dma_wait3A_251] : memref<3x128x128xf32, #tpu.memory_space<vmem>> -> memref<1x128x128xf32, #tpu.memory_space<vmem>>
      %dma_wait3A_253 = tpu.memref_squeeze %dma_wait3A_252 : memref<1x128x128xf32, #tpu.memory_space<vmem>> -> memref<128x128xf32, #tpu.memory_space<vmem>>
      %dma_wait3A_254 = arith.constant 0 : i32
      %dma_wait3A_255 = tpu.memref_slice %arg6[%run_scoped3A_185, %run_scoped3A_186, %dma_wait3A_254] : memref<3x1x128xi32, #tpu.memory_space<vmem>> -> memref<1x1x128xi32, #tpu.memory_space<vmem>>
      %dma_wait3A_256 = tpu.memref_squeeze %dma_wait3A_255 : memref<1x1x128xi32, #tpu.memory_space<vmem>> -> memref<128xi32, #tpu.memory_space<vmem>>
      %dma_wait3A_257 = arith.constant 0 : i32
      %dma_wait3A_258 = arith.constant 0 : i32
      %dma_wait3A_259 = tpu.memref_slice %arg8[%dma_wait3A_257, %dma_wait3A_258] : memref<10000x128xf32, #tpu.memory_space<vmem_shared>> -> memref<10000x128xf32, #tpu.memory_space<vmem_shared>>
      tpu.wait_indirect_dma semaphore(%run_scoped3A_239 : memref<!tpu.dma_semaphore, #tpu.memory_space<semaphore_mem>>) src(%dma_wait3A_253 : memref<128x128xf32, #tpu.memory_space<vmem>>) dst(%dma_wait3A_259 : memref<10000x128xf32, #tpu.memory_space<vmem_shared>>)
      tpu.yield
    }) : () -> ()
    %dma_wait3A_187 = arith.constant 0 : i32
    %dma_wait3A_188 = arith.constant 2 : i32
    %dma_wait3A_189 = arith.constant 0 : i32
    %dma_wait3A_190 = arith.constant 0 : i32
    %dma_wait3A_191 = tpu.memref_slice %arg6[%dma_wait3A_188, %dma_wait3A_189, %dma_wait3A_190] : memref<3x1x128xi32, #tpu.memory_space<vmem>> -> memref<1x1x128xi32, #tpu.memory_space<vmem>>
    %dma_wait3A_192 = tpu.memref_squeeze %dma_wait3A_191 : memref<1x1x128xi32, #tpu.memory_space<vmem>> -> memref<1x128xi32, #tpu.memory_space<vmem>>
    %dma_wait3A_193 = arith.constant 0 : i32
    %dma_wait3A_194 = arith.constant 0 : i32
    %dma_wait3A_195 = tpu.memref_slice %arg3[%dma_wait3A_187, %dma_wait3A_193, %dma_wait3A_194] : memref<2500x1x128xi32, #tpu.memory_space<hbm>> -> memref<1x1x128xi32, #tpu.memory_space<hbm>>
    %dma_wait3A_196 = tpu.memref_squeeze %dma_wait3A_195 : memref<1x1x128xi32, #tpu.memory_space<hbm>> -> memref<1x128xi32, #tpu.memory_space<hbm>>
    %dma_wait3A_197 = arith.constant 0 : i32
    %dma_wait3A_198 = arith.constant 0 : i32
    %dma_wait3A_199 = tpu.memref_slice %arg6[%dma_wait3A_188, %dma_wait3A_197, %dma_wait3A_198] : memref<3x1x128xi32, #tpu.memory_space<vmem>> -> memref<1x1x128xi32, #tpu.memory_space<vmem>>
    %dma_wait3A_200 = tpu.memref_squeeze %dma_wait3A_199 : memref<1x1x128xi32, #tpu.memory_space<vmem>> -> memref<1x128xi32, #tpu.memory_space<vmem>>
    %dma_wait3A_201 = arith.constant 0 : i32
    %dma_wait3A_202 = arith.constant 0 : i32
    %dma_wait3A_203 = tpu.memref_slice %arg3[%dma_wait3A_187, %dma_wait3A_201, %dma_wait3A_202] : memref<2500x1x128xi32, #tpu.memory_space<hbm>> -> memref<1x1x128xi32, #tpu.memory_space<hbm>>
    %dma_wait3A_204 = tpu.memref_squeeze %dma_wait3A_203 : memref<1x1x128xi32, #tpu.memory_space<hbm>> -> memref<1x128xi32, #tpu.memory_space<hbm>>
    tpu.wait_dma2 semaphore(%arg11 : memref<!tpu.dma_semaphore, #tpu.memory_space<semaphore_mem>>) src(%dma_wait3A_204 : memref<1x128xi32, #tpu.memory_space<hbm>>) dst(%dma_wait3A_200 : memref<1x128xi32, #tpu.memory_space<vmem>>)
    %dma_wait3A_205 = arith.constant 2 : i32
    %dma_wait3A_206 = arith.constant 0 : i32
    %dma_wait3A_207 = arith.constant 0 : i32
    %dma_wait3A_208 = tpu.memref_slice %arg7[%dma_wait3A_205, %dma_wait3A_206, %dma_wait3A_207] : memref<3x128x128xf32, #tpu.memory_space<vmem>> -> memref<1x128x128xf32, #tpu.memory_space<vmem>>
    %dma_wait3A_209 = tpu.memref_squeeze %dma_wait3A_208 : memref<1x128x128xf32, #tpu.memory_space<vmem>> -> memref<128x128xf32, #tpu.memory_space<vmem>>
    %dma_wait3A_210 = arith.constant 0 : i32
    %dma_wait3A_211 = arith.constant 0 : i32
    %dma_wait3A_212 = tpu.memref_slice %arg2[%dma_wait3A_210, %dma_wait3A_211] : memref<320000x128xf32, #tpu.memory_space<hbm>> -> memref<128x128xf32, #tpu.memory_space<hbm>>
    %dma_wait3A_213 = arith.constant 0 : i32
    %dma_wait3A_214 = arith.constant 0 : i32
    %dma_wait3A_215 = tpu.memref_slice %arg7[%dma_wait3A_205, %dma_wait3A_213, %dma_wait3A_214] : memref<3x128x128xf32, #tpu.memory_space<vmem>> -> memref<1x128x128xf32, #tpu.memory_space<vmem>>
    %dma_wait3A_216 = tpu.memref_squeeze %dma_wait3A_215 : memref<1x128x128xf32, #tpu.memory_space<vmem>> -> memref<128x128xf32, #tpu.memory_space<vmem>>
    %dma_wait3A_217 = arith.constant 0 : i32
    %dma_wait3A_218 = arith.constant 0 : i32
    %dma_wait3A_219 = tpu.memref_slice %arg2[%dma_wait3A_217, %dma_wait3A_218] : memref<320000x128xf32, #tpu.memory_space<hbm>> -> memref<128x128xf32, #tpu.memory_space<hbm>>
    tpu.wait_dma2 semaphore(%arg11 : memref<!tpu.dma_semaphore, #tpu.memory_space<semaphore_mem>>) src(%dma_wait3A_219 : memref<128x128xf32, #tpu.memory_space<hbm>>) dst(%dma_wait3A_216 : memref<128x128xf32, #tpu.memory_space<vmem>>)
    %run_scoped3A_220 = arith.constant 2 : i32
    %run_scoped3A_221 = arith.constant 2 : i32
    %run_scoped3A_222 = arith.constant 0 : i32
    "tpu.region"() ({
      %run_scoped3A_239 = tpu.sem_alloc : memref<!tpu.dma_semaphore, #tpu.memory_space<semaphore_mem>>
      %dma_start3A_240 = arith.constant 0 : i32
      %dma_start3A_241 = arith.constant 0 : i32
      %dma_start3A_242 = tpu.memref_slice %arg7[%run_scoped3A_220, %dma_start3A_240, %dma_start3A_241] : memref<3x128x128xf32, #tpu.memory_space<vmem>> -> memref<1x128x128xf32, #tpu.memory_space<vmem>>
      %dma_start3A_243 = tpu.memref_squeeze %dma_start3A_242 : memref<1x128x128xf32, #tpu.memory_space<vmem>> -> memref<128x128xf32, #tpu.memory_space<vmem>>
      %dma_start3A_244 = arith.constant 0 : i32
      %dma_start3A_245 = tpu.memref_slice %arg6[%run_scoped3A_221, %run_scoped3A_222, %dma_start3A_244] : memref<3x1x128xi32, #tpu.memory_space<vmem>> -> memref<1x1x128xi32, #tpu.memory_space<vmem>>
      %dma_start3A_246 = tpu.memref_squeeze %dma_start3A_245 : memref<1x1x128xi32, #tpu.memory_space<vmem>> -> memref<128xi32, #tpu.memory_space<vmem>>
      %dma_start3A_247 = arith.constant 0 : i32
      %dma_start3A_248 = arith.constant 0 : i32
      %dma_start3A_249 = tpu.memref_slice %arg8[%dma_start3A_247, %dma_start3A_248] : memref<10000x128xf32, #tpu.memory_space<vmem_shared>> -> memref<10000x128xf32, #tpu.memory_space<vmem_shared>>
      tpu.enqueue_indirect_dma source(%dma_start3A_243 : memref<128x128xf32, #tpu.memory_space<vmem>>) target(%dma_start3A_249 : memref<10000x128xf32, #tpu.memory_space<vmem_shared>>) offsets(%dma_start3A_246 : memref<128xi32, #tpu.memory_space<vmem>>) semaphore(%run_scoped3A_239 : memref<!tpu.dma_semaphore, #tpu.memory_space<semaphore_mem>>) {add = true}
      %dma_wait3A_250 = arith.constant 0 : i32
      %dma_wait3A_251 = arith.constant 0 : i32
      %dma_wait3A_252 = tpu.memref_slice %arg7[%run_scoped3A_220, %dma_wait3A_250, %dma_wait3A_251] : memref<3x128x128xf32, #tpu.memory_space<vmem>> -> memref<1x128x128xf32, #tpu.memory_space<vmem>>
      %dma_wait3A_253 = tpu.memref_squeeze %dma_wait3A_252 : memref<1x128x128xf32, #tpu.memory_space<vmem>> -> memref<128x128xf32, #tpu.memory_space<vmem>>
      %dma_wait3A_254 = arith.constant 0 : i32
      %dma_wait3A_255 = tpu.memref_slice %arg6[%run_scoped3A_221, %run_scoped3A_222, %dma_wait3A_254] : memref<3x1x128xi32, #tpu.memory_space<vmem>> -> memref<1x1x128xi32, #tpu.memory_space<vmem>>
      %dma_wait3A_256 = tpu.memref_squeeze %dma_wait3A_255 : memref<1x1x128xi32, #tpu.memory_space<vmem>> -> memref<128xi32, #tpu.memory_space<vmem>>
      %dma_wait3A_257 = arith.constant 0 : i32
      %dma_wait3A_258 = arith.constant 0 : i32
      %dma_wait3A_259 = tpu.memref_slice %arg8[%dma_wait3A_257, %dma_wait3A_258] : memref<10000x128xf32, #tpu.memory_space<vmem_shared>> -> memref<10000x128xf32, #tpu.memory_space<vmem_shared>>
      tpu.wait_indirect_dma semaphore(%run_scoped3A_239 : memref<!tpu.dma_semaphore, #tpu.memory_space<semaphore_mem>>) src(%dma_wait3A_253 : memref<128x128xf32, #tpu.memory_space<vmem>>) dst(%dma_wait3A_259 : memref<10000x128xf32, #tpu.memory_space<vmem_shared>>)
      tpu.yield
    }) : () -> ()
    %lt3A_223 = arith.constant 4 : i32
    %lt3A_224 = arith.cmpi slt, %add3A, %lt3A_223 : i32
    %convert_element_type3A_225 = arith.extui %lt3A_224 : i1 to i32
    %cond3A_226 = arith.constant 0 : i32
    %cond3A_227 = arith.cmpi ne, %convert_element_type3A_225, %cond3A_226 : i32
    scf.if %cond3A_227 {
      %add3A_239 = arith.constant 78 : i32
      %add3A_240 = arith.addi %add3A_4, %add3A_239 : i32
      %dma_start3A_241 = arith.constant 0 : i32
      %dma_start3A_242 = arith.constant 0 : i32
      %dma_start3A_243 = arith.constant 0 : i32
      %dma_start3A_244 = tpu.memref_slice %arg6[%dma_start3A_241, %dma_start3A_242, %dma_start3A_243] : memref<3x1x128xi32, #tpu.memory_space<vmem>> -> memref<1x1x128xi32, #tpu.memory_space<vmem>>
      %dma_start3A_245 = tpu.memref_squeeze %dma_start3A_244 : memref<1x1x128xi32, #tpu.memory_space<vmem>> -> memref<1x128xi32, #tpu.memory_space<vmem>>
      %dma_start3A_246 = arith.constant 0 : i32
      %dma_start3A_247 = arith.constant 0 : i32
      %dma_start3A_248 = tpu.memref_slice %arg3[%add3A_240, %dma_start3A_246, %dma_start3A_247] : memref<2500x1x128xi32, #tpu.memory_space<hbm>> -> memref<1x1x128xi32, #tpu.memory_space<hbm>>
      %dma_start3A_249 = tpu.memref_squeeze %dma_start3A_248 : memref<1x1x128xi32, #tpu.memory_space<hbm>> -> memref<1x128xi32, #tpu.memory_space<hbm>>
      %dma_start3A_250 = arith.constant 0 : i32
      %dma_start3A_251 = arith.constant 0 : i32
      %dma_start3A_252 = tpu.memref_slice %arg6[%dma_start3A_241, %dma_start3A_250, %dma_start3A_251] : memref<3x1x128xi32, #tpu.memory_space<vmem>> -> memref<1x1x128xi32, #tpu.memory_space<vmem>>
      %dma_start3A_253 = tpu.memref_squeeze %dma_start3A_252 : memref<1x1x128xi32, #tpu.memory_space<vmem>> -> memref<1x128xi32, #tpu.memory_space<vmem>>
      %dma_start3A_254 = arith.constant 0 : i32
      %dma_start3A_255 = arith.constant 0 : i32
      %dma_start3A_256 = tpu.memref_slice %arg3[%add3A_240, %dma_start3A_254, %dma_start3A_255] : memref<2500x1x128xi32, #tpu.memory_space<hbm>> -> memref<1x1x128xi32, #tpu.memory_space<hbm>>
      %dma_start3A_257 = tpu.memref_squeeze %dma_start3A_256 : memref<1x1x128xi32, #tpu.memory_space<hbm>> -> memref<1x128xi32, #tpu.memory_space<hbm>>
      tpu.enqueue_dma source(%dma_start3A_257 : memref<1x128xi32, #tpu.memory_space<hbm>>) target(%dma_start3A_253 : memref<1x128xi32, #tpu.memory_space<vmem>>) target_semaphore(%arg9 : memref<!tpu.dma_semaphore, #tpu.memory_space<semaphore_mem>>)
      %mul3A_258 = arith.constant 128 : i32
      %mul3A_259 = arith.muli %add3A_240, %mul3A_258 : i32
      %dma_start3A_260 = arith.constant 0 : i32
      %dma_start3A_261 = arith.constant 0 : i32
      %dma_start3A_262 = arith.constant 0 : i32
      %dma_start3A_263 = tpu.memref_slice %arg7[%dma_start3A_260, %dma_start3A_261, %dma_start3A_262] : memref<3x128x128xf32, #tpu.memory_space<vmem>> -> memref<1x128x128xf32, #tpu.memory_space<vmem>>
      %dma_start3A_264 = tpu.memref_squeeze %dma_start3A_263 : memref<1x128x128xf32, #tpu.memory_space<vmem>> -> memref<128x128xf32, #tpu.memory_space<vmem>>
      %dma_start3A_265 = arith.constant 0 : i32
      %dma_start3A_266 = tpu.memref_slice %arg2[%mul3A_259, %dma_start3A_265] : memref<320000x128xf32, #tpu.memory_space<hbm>> -> memref<128x128xf32, #tpu.memory_space<hbm>>
      %dma_start3A_267 = arith.constant 0 : i32
      %dma_start3A_268 = arith.constant 0 : i32
      %dma_start3A_269 = tpu.memref_slice %arg7[%dma_start3A_260, %dma_start3A_267, %dma_start3A_268] : memref<3x128x128xf32, #tpu.memory_space<vmem>> -> memref<1x128x128xf32, #tpu.memory_space<vmem>>
      %dma_start3A_270 = tpu.memref_squeeze %dma_start3A_269 : memref<1x128x128xf32, #tpu.memory_space<vmem>> -> memref<128x128xf32, #tpu.memory_space<vmem>>
      %dma_start3A_271 = arith.constant 0 : i32
      %dma_start3A_272 = tpu.memref_slice %arg2[%mul3A_259, %dma_start3A_271] : memref<320000x128xf32, #tpu.memory_space<hbm>> -> memref<128x128xf32, #tpu.memory_space<hbm>>
      tpu.enqueue_dma source(%dma_start3A_272 : memref<128x128xf32, #tpu.memory_space<hbm>>) target(%dma_start3A_270 : memref<128x128xf32, #tpu.memory_space<vmem>>) target_semaphore(%arg9 : memref<!tpu.dma_semaphore, #tpu.memory_space<semaphore_mem>>)
      %dma_wait3A_273 = arith.constant 0 : i32
      %dma_wait3A_274 = arith.constant 0 : i32
      %dma_wait3A_275 = arith.constant 0 : i32
      %dma_wait3A_276 = arith.constant 0 : i32
      %dma_wait3A_277 = tpu.memref_slice %arg6[%dma_wait3A_274, %dma_wait3A_275, %dma_wait3A_276] : memref<3x1x128xi32, #tpu.memory_space<vmem>> -> memref<1x1x128xi32, #tpu.memory_space<vmem>>
      %dma_wait3A_278 = tpu.memref_squeeze %dma_wait3A_277 : memref<1x1x128xi32, #tpu.memory_space<vmem>> -> memref<1x128xi32, #tpu.memory_space<vmem>>
      %dma_wait3A_279 = arith.constant 0 : i32
      %dma_wait3A_280 = arith.constant 0 : i32
      %dma_wait3A_281 = tpu.memref_slice %arg3[%dma_wait3A_273, %dma_wait3A_279, %dma_wait3A_280] : memref<2500x1x128xi32, #tpu.memory_space<hbm>> -> memref<1x1x128xi32, #tpu.memory_space<hbm>>
      %dma_wait3A_282 = tpu.memref_squeeze %dma_wait3A_281 : memref<1x1x128xi32, #tpu.memory_space<hbm>> -> memref<1x128xi32, #tpu.memory_space<hbm>>
      %dma_wait3A_283 = arith.constant 0 : i32
      %dma_wait3A_284 = arith.constant 0 : i32
      %dma_wait3A_285 = tpu.memref_slice %arg6[%dma_wait3A_274, %dma_wait3A_283, %dma_wait3A_284] : memref<3x1x128xi32, #tpu.memory_space<vmem>> -> memref<1x1x128xi32, #tpu.memory_space<vmem>>
      %dma_wait3A_286 = tpu.memref_squeeze %dma_wait3A_285 : memref<1x1x128xi32, #tpu.memory_space<vmem>> -> memref<1x128xi32, #tpu.memory_space<vmem>>
      %dma_wait3A_287 = arith.constant 0 : i32
      %dma_wait3A_288 = arith.constant 0 : i32
      %dma_wait3A_289 = tpu.memref_slice %arg3[%dma_wait3A_273, %dma_wait3A_287, %dma_wait3A_288] : memref<2500x1x128xi32, #tpu.memory_space<hbm>> -> memref<1x1x128xi32, #tpu.memory_space<hbm>>
      %dma_wait3A_290 = tpu.memref_squeeze %dma_wait3A_289 : memref<1x1x128xi32, #tpu.memory_space<hbm>> -> memref<1x128xi32, #tpu.memory_space<hbm>>
      tpu.wait_dma2 semaphore(%arg9 : memref<!tpu.dma_semaphore, #tpu.memory_space<semaphore_mem>>) src(%dma_wait3A_290 : memref<1x128xi32, #tpu.memory_space<hbm>>) dst(%dma_wait3A_286 : memref<1x128xi32, #tpu.memory_space<vmem>>)
      %dma_wait3A_291 = arith.constant 0 : i32
      %dma_wait3A_292 = arith.constant 0 : i32
      %dma_wait3A_293 = arith.constant 0 : i32
      %dma_wait3A_294 = tpu.memref_slice %arg7[%dma_wait3A_291, %dma_wait3A_292, %dma_wait3A_293] : memref<3x128x128xf32, #tpu.memory_space<vmem>> -> memref<1x128x128xf32, #tpu.memory_space<vmem>>
      %dma_wait3A_295 = tpu.memref_squeeze %dma_wait3A_294 : memref<1x128x128xf32, #tpu.memory_space<vmem>> -> memref<128x128xf32, #tpu.memory_space<vmem>>
      %dma_wait3A_296 = arith.constant 0 : i32
      %dma_wait3A_297 = arith.constant 0 : i32
      %dma_wait3A_298 = tpu.memref_slice %arg2[%dma_wait3A_296, %dma_wait3A_297] : memref<320000x128xf32, #tpu.memory_space<hbm>> -> memref<128x128xf32, #tpu.memory_space<hbm>>
      %dma_wait3A_299 = arith.constant 0 : i32
      %dma_wait3A_300 = arith.constant 0 : i32
      %dma_wait3A_301 = tpu.memref_slice %arg7[%dma_wait3A_291, %dma_wait3A_299, %dma_wait3A_300] : memref<3x128x128xf32, #tpu.memory_space<vmem>> -> memref<1x128x128xf32, #tpu.memory_space<vmem>>
      %dma_wait3A_302 = tpu.memref_squeeze %dma_wait3A_301 : memref<1x128x128xf32, #tpu.memory_space<vmem>> -> memref<128x128xf32, #tpu.memory_space<vmem>>
      %dma_wait3A_303 = arith.constant 0 : i32
      %dma_wait3A_304 = arith.constant 0 : i32
      %dma_wait3A_305 = tpu.memref_slice %arg2[%dma_wait3A_303, %dma_wait3A_304] : memref<320000x128xf32, #tpu.memory_space<hbm>> -> memref<128x128xf32, #tpu.memory_space<hbm>>
      tpu.wait_dma2 semaphore(%arg9 : memref<!tpu.dma_semaphore, #tpu.memory_space<semaphore_mem>>) src(%dma_wait3A_305 : memref<128x128xf32, #tpu.memory_space<hbm>>) dst(%dma_wait3A_302 : memref<128x128xf32, #tpu.memory_space<vmem>>)
      %run_scoped3A_306 = arith.constant 0 : i32
      %run_scoped3A_307 = arith.constant 0 : i32
      %run_scoped3A_308 = arith.constant 0 : i32
      "tpu.region"() ({
        %run_scoped3A_309 = tpu.sem_alloc : memref<!tpu.dma_semaphore, #tpu.memory_space<semaphore_mem>>
        %dma_start3A_310 = arith.constant 0 : i32
        %dma_start3A_311 = arith.constant 0 : i32
        %dma_start3A_312 = tpu.memref_slice %arg7[%run_scoped3A_306, %dma_start3A_310, %dma_start3A_311] : memref<3x128x128xf32, #tpu.memory_space<vmem>> -> memref<1x128x128xf32, #tpu.memory_space<vmem>>
        %dma_start3A_313 = tpu.memref_squeeze %dma_start3A_312 : memref<1x128x128xf32, #tpu.memory_space<vmem>> -> memref<128x128xf32, #tpu.memory_space<vmem>>
        %dma_start3A_314 = arith.constant 0 : i32
        %dma_start3A_315 = tpu.memref_slice %arg6[%run_scoped3A_307, %run_scoped3A_308, %dma_start3A_314] : memref<3x1x128xi32, #tpu.memory_space<vmem>> -> memref<1x1x128xi32, #tpu.memory_space<vmem>>
        %dma_start3A_316 = tpu.memref_squeeze %dma_start3A_315 : memref<1x1x128xi32, #tpu.memory_space<vmem>> -> memref<128xi32, #tpu.memory_space<vmem>>
        %dma_start3A_317 = arith.constant 0 : i32
        %dma_start3A_318 = arith.constant 0 : i32
        %dma_start3A_319 = tpu.memref_slice %arg8[%dma_start3A_317, %dma_start3A_318] : memref<10000x128xf32, #tpu.memory_space<vmem_shared>> -> memref<10000x128xf32, #tpu.memory_space<vmem_shared>>
        tpu.enqueue_indirect_dma source(%dma_start3A_313 : memref<128x128xf32, #tpu.memory_space<vmem>>) target(%dma_start3A_319 : memref<10000x128xf32, #tpu.memory_space<vmem_shared>>) offsets(%dma_start3A_316 : memref<128xi32, #tpu.memory_space<vmem>>) semaphore(%run_scoped3A_309 : memref<!tpu.dma_semaphore, #tpu.memory_space<semaphore_mem>>) {add = true}
        %dma_wait3A_320 = arith.constant 0 : i32
        %dma_wait3A_321 = arith.constant 0 : i32
        %dma_wait3A_322 = tpu.memref_slice %arg7[%run_scoped3A_306, %dma_wait3A_320, %dma_wait3A_321] : memref<3x128x128xf32, #tpu.memory_space<vmem>> -> memref<1x128x128xf32, #tpu.memory_space<vmem>>
        %dma_wait3A_323 = tpu.memref_squeeze %dma_wait3A_322 : memref<1x128x128xf32, #tpu.memory_space<vmem>> -> memref<128x128xf32, #tpu.memory_space<vmem>>
        %dma_wait3A_324 = arith.constant 0 : i32
        %dma_wait3A_325 = tpu.memref_slice %arg6[%run_scoped3A_307, %run_scoped3A_308, %dma_wait3A_324] : memref<3x1x128xi32, #tpu.memory_space<vmem>> -> memref<1x1x128xi32, #tpu.memory_space<vmem>>
        %dma_wait3A_326 = tpu.memref_squeeze %dma_wait3A_325 : memref<1x1x128xi32, #tpu.memory_space<vmem>> -> memref<128xi32, #tpu.memory_space<vmem>>
        %dma_wait3A_327 = arith.constant 0 : i32
        %dma_wait3A_328 = arith.constant 0 : i32
        %dma_wait3A_329 = tpu.memref_slice %arg8[%dma_wait3A_327, %dma_wait3A_328] : memref<10000x128xf32, #tpu.memory_space<vmem_shared>> -> memref<10000x128xf32, #tpu.memory_space<vmem_shared>>
        tpu.wait_indirect_dma semaphore(%run_scoped3A_309 : memref<!tpu.dma_semaphore, #tpu.memory_space<semaphore_mem>>) src(%dma_wait3A_323 : memref<128x128xf32, #tpu.memory_space<vmem>>) dst(%dma_wait3A_329 : memref<10000x128xf32, #tpu.memory_space<vmem_shared>>)
        tpu.yield
      }) : () -> ()
    } else {
    }
    %barrier3A_228 = arith.constant 0 : index
    tpu.barrier barrier_id(%barrier3A_228)
    %lt3A_229 = arith.constant 15 : i32
    %lt3A_230 = arith.cmpi slt, %arg1, %lt3A_229 : i32
    %convert_element_type3A_231 = arith.extui %lt3A_230 : i1 to i32
    %cond3A_232 = arith.constant 0 : i32
    %cond3A_233 = arith.cmpi ne, %convert_element_type3A_231, %cond3A_232 : i32
    scf.if %cond3A_233 {
      %mul3A_239 = arith.constant 632 : i32
      %mul3A_240 = arith.muli %arg1, %mul3A_239 : i32
      %mul3A_241 = arith.constant 10000 : i32
      %mul3A_242 = arith.muli %arg0, %mul3A_241 : i32
      %mul3A_243 = arith.constant 632 : i32
      %mul3A_244 = arith.muli %arg1, %mul3A_243 : i32
      %add3A_245 = arith.addi %mul3A_242, %mul3A_244 : i32
      "tpu.region"() ({
        %run_scoped3A_246 = tpu.sem_alloc : memref<!tpu.dma_semaphore, #tpu.memory_space<semaphore_mem>>
        %dma_start3A_247 = arith.constant 0 : i32
        %dma_start3A_248 = tpu.memref_slice %arg5[%add3A_245, %dma_start3A_247] : memref<20000x128xf32, #tpu.memory_space<hbm>> -> memref<632x128xf32, #tpu.memory_space<hbm>>
        %dma_start3A_249 = arith.constant 0 : i32
        %dma_start3A_250 = tpu.memref_slice %arg8[%mul3A_240, %dma_start3A_249] : memref<10000x128xf32, #tpu.memory_space<vmem_shared>> -> memref<632x128xf32, #tpu.memory_space<vmem_shared>>
        tpu.enqueue_dma source(%dma_start3A_250 : memref<632x128xf32, #tpu.memory_space<vmem_shared>>) target(%dma_start3A_248 : memref<632x128xf32, #tpu.memory_space<hbm>>) target_semaphore(%run_scoped3A_246 : memref<!tpu.dma_semaphore, #tpu.memory_space<semaphore_mem>>)
        %dma_wait3A_251 = arith.constant 0 : i32
        %dma_wait3A_252 = tpu.memref_slice %arg5[%add3A_245, %dma_wait3A_251] : memref<20000x128xf32, #tpu.memory_space<hbm>> -> memref<632x128xf32, #tpu.memory_space<hbm>>
        %dma_wait3A_253 = arith.constant 0 : i32
        %dma_wait3A_254 = tpu.memref_slice %arg8[%mul3A_240, %dma_wait3A_253] : memref<10000x128xf32, #tpu.memory_space<vmem_shared>> -> memref<632x128xf32, #tpu.memory_space<vmem_shared>>
        tpu.wait_dma2 semaphore(%run_scoped3A_246 : memref<!tpu.dma_semaphore, #tpu.memory_space<semaphore_mem>>) src(%dma_wait3A_254 : memref<632x128xf32, #tpu.memory_space<vmem_shared>>) dst(%dma_wait3A_252 : memref<632x128xf32, #tpu.memory_space<hbm>>)
        tpu.yield
      }) : () -> ()
    } else {
    }
    %eq3A_234 = arith.constant 15 : i32
    %eq3A_235 = arith.cmpi eq, %arg1, %eq3A_234 : i32
    %convert_element_type3A_236 = arith.extui %eq3A_235 : i1 to i32
    %cond3A_237 = arith.constant 0 : i32
    %cond3A_238 = arith.cmpi ne, %convert_element_type3A_236, %cond3A_237 : i32
    scf.if %cond3A_238 {
      %mul3A_239 = arith.constant 10000 : i32
      %mul3A_240 = arith.muli %arg0, %mul3A_239 : i32
      %add3A_241 = arith.constant 9480 : i32
      %add3A_242 = arith.addi %mul3A_240, %add3A_241 : i32
      "tpu.region"() ({
        %run_scoped3A_243 = tpu.sem_alloc : memref<!tpu.dma_semaphore, #tpu.memory_space<semaphore_mem>>
        %dma_start3A_244 = arith.constant 0 : i32
        %dma_start3A_245 = tpu.memref_slice %arg5[%add3A_242, %dma_start3A_244] : memref<20000x128xf32, #tpu.memory_space<hbm>> -> memref<520x128xf32, #tpu.memory_space<hbm>>
        %dma_start3A_246 = arith.constant 9480 : i32
        %dma_start3A_247 = arith.constant 0 : i32
        %dma_start3A_248 = tpu.memref_slice %arg8[%dma_start3A_246, %dma_start3A_247] : memref<10000x128xf32, #tpu.memory_space<vmem_shared>> -> memref<520x128xf32, #tpu.memory_space<vmem_shared>>
        tpu.enqueue_dma source(%dma_start3A_248 : memref<520x128xf32, #tpu.memory_space<vmem_shared>>) target(%dma_start3A_245 : memref<520x128xf32, #tpu.memory_space<hbm>>) target_semaphore(%run_scoped3A_243 : memref<!tpu.dma_semaphore, #tpu.memory_space<semaphore_mem>>)
        %dma_wait3A_249 = arith.constant 0 : i32
        %dma_wait3A_250 = tpu.memref_slice %arg5[%add3A_242, %dma_wait3A_249] : memref<20000x128xf32, #tpu.memory_space<hbm>> -> memref<520x128xf32, #tpu.memory_space<hbm>>
        %dma_wait3A_251 = arith.constant 9480 : i32
        %dma_wait3A_252 = arith.constant 0 : i32
        %dma_wait3A_253 = tpu.memref_slice %arg8[%dma_wait3A_251, %dma_wait3A_252] : memref<10000x128xf32, #tpu.memory_space<vmem_shared>> -> memref<520x128xf32, #tpu.memory_space<vmem_shared>>
        tpu.wait_dma2 semaphore(%run_scoped3A_243 : memref<!tpu.dma_semaphore, #tpu.memory_space<semaphore_mem>>) src(%dma_wait3A_253 : memref<520x128xf32, #tpu.memory_space<vmem_shared>>) dst(%dma_wait3A_250 : memref<520x128xf32, #tpu.memory_space<hbm>>)
        tpu.yield
      }) : () -> ()
    } else {
    }
    return
  }
}

module attributes {stable_mosaic.version = 14 : i64} {
  func.func @mm(%arg0: i32, %arg1: memref<10000x128xf32, #tpu.memory_space<vmem>>, %arg2: memref<10000x128xf32, #tpu.memory_space<vmem>>, %arg3: memref<128x128xf32, #tpu.memory_space<vmem>>, %arg4: memref<10000x128xf32, #tpu.memory_space<vmem>>) attributes {dimension_semantics = [#tpu.dimension_semantics<arbitrary>], iteration_bounds = array<i64: 1>, scalar_prefetch = 0 : i64, scratch_operands = 0 : i64, tpu.core_type = #tpu.core_type<tc>, window_params = [{transform_indices = @transform_0, window_bounds = array<i64: 10000, 128>}, {transform_indices = @transform_1, window_bounds = array<i64: 10000, 128>}, {pipeline_mode = #tpu.pipeline_mode<synchronous>, transform_indices = @transform_2, window_bounds = array<i64: 128, 128>}, {transform_indices = @transform_3, window_bounds = array<i64: 10000, 128>}]} {
    %get3A = arith.constant 0 : index
    %get3A_0 = arith.constant 0 : index
    %get3A_1 = vector.load %arg1[%get3A, %get3A_0] : memref<10000x128xf32, #tpu.memory_space<vmem>>, vector<10000x128xf32>
    %get3A_2 = arith.constant 0 : index
    %get3A_3 = arith.constant 0 : index
    %get3A_4 = vector.load %arg2[%get3A_2, %get3A_3] : memref<10000x128xf32, #tpu.memory_space<vmem>>, vector<10000x128xf32>
    %add3A = arith.addf %get3A_1, %get3A_4 : vector<10000x128xf32>
    %get3A_5 = arith.constant 0 : index
    %get3A_6 = arith.constant 0 : index
    %get3A_7 = vector.load %arg3[%get3A_5, %get3A_6] : memref<128x128xf32, #tpu.memory_space<vmem>>, vector<128x128xf32>
    %dot_general3A = arith.constant dense<0.000000e+00> : vector<10000x128xf32>
    %dot_general3A_8 = tpu.matmul %add3A, %get3A_7, %dot_general3A {dimension_numbers = #tpu.dot_dimension_numbers<[1], [1], [0], [0], [0, 0, 1, 0], [], []>, transpose_lhs_hint = false} : vector<10000x128xf32>, vector<128x128xf32>, vector<10000x128xf32> -> vector<10000x128xf32>
    %swap3A = arith.constant 0 : index
    %swap3A_9 = arith.constant 0 : index
    %swap3A_10 = vector.load %arg4[%swap3A, %swap3A_9] : memref<10000x128xf32, #tpu.memory_space<vmem>>, vector<10000x128xf32>
    tpu.vector_store %arg4[%swap3A, %swap3A_9], %dot_general3A_8 {strides = array<i32>} : memref<10000x128xf32, #tpu.memory_space<vmem>>, vector<10000x128xf32>,
    return
  }
  func.func @transform_0(%arg0: i32) -> (i32, i32) {
    %c0_i32 = arith.constant 0 : i32
    %c0_i32_0 = arith.constant 0 : i32
    return %arg0, %c0_i32 : i32, i32
  }
  func.func @transform_1(%arg0: i32) -> (i32, i32) {
    %add3A = arith.constant 1 : i32
    %add3A_0 = arith.addi %arg0, %add3A : i32
    %c0_i32 = arith.constant 0 : i32
    %c0_i32_1 = arith.constant 0 : i32
    return %add3A_0, %c0_i32 : i32, i32
  }
  func.func @transform_2(%arg0: i32) -> (i32, i32) {
    %c0_i32 = arith.constant 0 : i32
    %c0_i32_0 = arith.constant 0 : i32
    %c0_i32_1 = arith.constant 0 : i32
    return %c0_i32, %c0_i32_0 : i32, i32
  }
  func.func @transform_3(%arg0: i32) -> (i32, i32) {
    %c0_i32 = arith.constant 0 : i32
    %c0_i32_0 = arith.constant 0 : i32
    return %arg0, %c0_i32 : i32, i32
  }
}

</mosaic_0001>

<sc_bundles>
// kernel: kernel.4.cloned.1.call-start
scs
__scs_entry_jumppad:
0x0: {  	(pc) =	sbr.rel $0x88, $3  }
0x1: {  	(tag) =	ssettag $0x0;
	lr =	simm.s32 $0x1  }
0x2: {  	[smem:$0x3F9E] =	sst lr;
	_ =	strace $0xD0000000  }
0x3: {  	_ = 	snop  }
0x4: {  	_ = 	snop  }
0x5: {  	_ = 	snop  }
0x6: {  	_ = 	snop  }
0x7: {  	_ = 	snop  }
__scs_overlays_trampoline_lowered:
0x8: {  	[smem:$0x3FAD] =	sst s0  }
0x9: {  	[smem:$0x3FAE] =	sst s1  }
0xa: {  	[smem:$0x3FAF] =	sst s2  }
0xb: {  	[smem:$0x3FB0] =	sst s3  }
0xc: {  	[smem:$0x3FB1] =	sst s4  }
0xd: {  	[smem:$0x3FB2] =	sst s5  }
0xe: {  	[smem:$0x3FB3] =	sst s6  }
0xf: {  	[smem:$0x3FB4] =	sst s7  }
0x10: {  	[smem:$0x3FB5] =	sst s8  }
0x11: {  	[smem:$0x3FB6] =	sst s9;
	s0 =	simm.s32 @!p0 $0x0  }
0x12: {  	s1 =	sld [smem:$0x3F9C];
	s0 =	simm.s32 @p0 $0x1  }
0x13: {  	[smem:$0x3FB7] =	sst s0;
	s0 =	simm.s32 @!p1 $0x0  }
0x14: {  	s2 =	sld [smem:$0x3F9B];
	s0 =	simm.s32 @p1 $0x1  }
0x15: {  	[smem:$0x3FB8] =	sst s0;
	s0 =	simm.s32 @!p2 $0x0  }
0x16: {  	s3 =	sld [smem:$0x3FDB];
	s0 =	simm.s32 @p2 $0x1  }
0x17: {  	s4 =	simm.s32 $0x1BF5;
	[smem:$0x3FBA] =	sst s0  }
0x18: {  	s0 =	sld [smem:$0x3F9D];
	_ =	swait.ge [sflag:s4], $0x0  }
0x19: {  	s7 =	sld [smem:$0x3F9E]  }
0x1a: {  	s8 =	sadd.s32 $0xFFFFE003, lr  }
0x1b: {  	s9 =	sadd.s32 $0xFFFFFEF7, lr;
	s5 =	simm.s32 $0xFFFFFFFF;
	p2 =	slt.u32 s8, $0xFFFFF086  }
0x1c: {  	p1 =	slt.u32 s9, $0xF7A;
	s5 =	simm.s32 @!p2 $0x0  }
0x1d: {  	s5 =	simm.s32 @p1 $0x1;
	p0 =	seq.s32 s7, s2  }
0x1e: {  	s7 =	smul.u32 @!p0 $0xF7A, s2;
	p2 =	seq.s32 @!p0 s5, $0x0  }
0x1f: {  	s9 =	smul.u32 $0xF7A, s1;
	s8 =	simm.s32 @!p0 $0x1BF5;
	p2 =	por !p2, p0  }
0x20: {  	[sflag:s8] =	ssyncset.s32 @!p0 $0xFFFFF086;
	s6 =	sadd.s32 @!p0 s3, s7;
	s7 =	simm.s32 @!p0 $0x108  }
0x21: {  	s3 =	sadd.s32 s3, s9;
	s6 =	sadd.s32 @!p0 $0x88, s6;
	s7 =	simm.s32 @p2 $0x1082  }
0x22: {  	[simem:s7], [sflag:s8] =	dma.local @!p0 [hbm:s6], $0xF7A  }
0x23: {  	s9 =	sor.u32 $0xD0000000, s2;
	s6 =	simm.s32 $0x108;
	_ =	swait.ge @!p0 [sflag:s8], $0x0  }
0x24: {  	s3 =	sadd.s32 $0x88, s3;
	s6 =	simm.s32 @!p1 $0x1082;
	[sflag:s4] =	ssyncset.s32 $0xFFFFF086  }
0x25: {  	[simem:s6], [sflag:s4] =	dma.local [hbm:s3], $0xF7A  }
0x26: {  	[smem:$0x3F9E] =	sst s1;
	(tag) =	ssettag s2;
	_ =	strace s9  }
0x27: {  	s1 =	sld [smem:$0x3FAE]  }
0x28: {  	s2 =	sld [smem:$0x3FAF]  }
0x29: {  	s4 =	sld [smem:$0x3FB1]  }
0x2a: {  	p0 =	seq.s32 s5, $0x0;
	s5 =	sld [smem:$0x3FB2]  }
0x2b: {  	s6 =	sld [smem:$0x3FB3]  }
0x2c: {  	s7 =	sld [smem:$0x3FB4]  }
0x2d: {  	s3 =	simm.s32 $0x108;
	s8 =	sld [smem:$0x3FB5]  }
0x2e: {  	s3 =	simm.s32 @!p0 $0x1082;
	s9 =	sld [smem:$0x3FB6]  }
0x2f: {  	lr =	sadd.s32 s0, s3;
	s0 =	sld [smem:$0x3FAD]  }
0x30: {  	s3 =	sld [smem:$0x3FB0]  }
0x31: {  	[smem:$0x3FB9] =	sst s10  }
0x32: {  	s10 =	sld [smem:$0x3FB7];
	_ =	sdelay $0x3  }
0x33: {  	p0 =	seq.s32 s10, $0x1;
	s10 =	sld [smem:$0x3FB9];
	_ =	sdelay $0x3  }
0x34: {  	[smem:$0x3FB9] =	sst s10  }
0x35: {  	s10 =	sld [smem:$0x3FB8];
	_ =	sdelay $0x3  }
0x36: {  	p1 =	seq.s32 s10, $0x1;
	s10 =	sld [smem:$0x3FB9];
	_ =	sdelay $0x3  }
0x37: {  	[smem:$0x3FB9] =	sst s10  }
0x38: {  	s10 =	sld [smem:$0x3FBA]  }
0x39: {  	_ = 	snop;
	(pc) =	sbr.ind lr, $3  }
0x3a: {  	_ = 	snop  }
0x3b: {  	_ = 	snop  }
0x3c: {  	p2 =	seq.s32 s10, $0x1;
	s10 =	sld [smem:$0x3FB9]  }
0x3d: {  	_ =	shalt  }
0x3e: {  	_ =	shalt  }
0x3f: {  	_ =	shalt  }
0x40: {  	_ =	shalt  }
0x41: {  	_ =	shalt  }
0x42: {  	_ =	shalt  }
0x43: {  	_ =	shalt  }
0x44: {  	_ =	shalt  }
0x45: {  	_ =	shalt  }
0x46: {  	_ =	shalt  }
0x47: {  	_ =	shalt  }
0x48: {  	_ =	shalt  }
0x49: {  	_ =	shalt  }
0x4a: {  	_ =	shalt  }
0x4b: {  	_ =	shalt  }
0x4c: {  	_ =	shalt  }
0x4d: {  	_ =	shalt  }
0x4e: {  	_ =	shalt  }
0x4f: {  	_ =	shalt  }
0x50: {  	_ =	shalt  }
0x51: {  	_ =	shalt  }
0x52: {  	_ =	shalt  }
0x53: {  	_ =	shalt  }
0x54: {  	_ =	shalt  }
0x55: {  	_ =	shalt  }
0x56: {  	_ =	shalt  }
0x57: {  	_ =	shalt  }
0x58: {  	_ =	shalt  }
0x59: {  	_ =	shalt  }
0x5a: {  	_ =	shalt  }
0x5b: {  	_ =	shalt  }
0x5c: {  	_ =	shalt  }
0x5d: {  	_ =	shalt  }
0x5e: {  	_ =	shalt  }
0x5f: {  	_ =	shalt  }
0x60: {  	_ =	shalt  }
0x61: {  	_ =	shalt  }
0x62: {  	_ =	shalt  }
0x63: {  	_ =	shalt  }
0x64: {  	_ =	shalt  }
0x65: {  	_ =	shalt  }
0x66: {  	_ =	shalt  }
0x67: {  	_ =	shalt  }
0x68: {  	_ =	shalt  }
0x69: {  	_ =	shalt  }
0x6a: {  	_ =	shalt  }
0x6b: {  	_ =	shalt  }
0x6c: {  	_ =	shalt  }
0x6d: {  	_ =	shalt  }
0x6e: {  	_ =	shalt  }
0x6f: {  	_ =	shalt  }
0x70: {  	_ =	shalt  }
0x71: {  	_ =	shalt  }
0x72: {  	_ =	shalt  }
0x73: {  	_ =	shalt  }
0x74: {  	_ =	shalt  }
0x75: {  	_ =	shalt  }
0x76: {  	_ =	shalt  }
0x77: {  	_ =	shalt  }
0x78: {  	_ =	shalt  }
0x79: {  	_ =	shalt  }
0x7a: {  	_ =	shalt  }
0x7b: {  	_ =	shalt  }
0x7c: {  	_ =	shalt  }
0x7d: {  	_ =	shalt  }
0x7e: {  	_ =	shalt  }
0x7f: {  	_ =	shalt  }
0x80: {  	_ =	shalt  }
0x81: {  	_ =	shalt  }
0x82: {  	_ =	shalt  }
0x83: {  	_ =	shalt  }
0x84: {  	_ =	shalt  }
0x85: {  	_ =	shalt  }
0x86: {  	_ =	shalt  }
0x87: {  	_ =	shalt  }
.Lfunc_end0:
.L_simem_size_0:
called_computation_lowered:
.L_overlay_start_0:
0x88: {  	s2 =	sld [smem:$0x3FD9]  }
0x89: {  	s3 =	sld [smem:$0x3FFE];
	_ =	sdelay $0x1  }
0x8a: {  	s1 =	srdreg.scid  }
0x8b: {  	s0 =	sand.u32 $0x1, s1  }
0x8c: {  	s17 =	sshll.u32 s0, $0xA;
	s2 =	sadd.s32 s3, s2  }
0x8d: {  	s2 =	sadd.s32 s2, s17  }
0x8e: {  	[smem:$0x3FC5] =	sst s2  }
0x8f: {  	_ = 	snop  }
0x90: {  	s2 =	sld [smem:$0x3FC8]  }
0x91: {  	s18 =	sld [smem:$0x3FD0];
	(tm) =	ssettm $0x1  }
0x92: {  	s4 =	sld [smem:$0x3FFB];
	_ =	sdelay $0x3  }
0x93: {  	_ =	strace s4  }
0x94: {  	s4 =	sld [smem:$0x3FFC];
	_ =	sdelay $0x3  }
0x95: {  	_ =	strace s4  }
0x96: {  	s4 =	sld [smem:$0x3FFD];
	_ =	sdelay $0x3  }
0x97: {  	_ =	strace s4  }
0x98: {  	_ =	strace $0x8FFFFFFF  }
0x99: {  	s19 =	sld [smem:$0x3FDB];
	_ =	sdelay $0x1  }
0x9a: {  	s5 =	simm.s32 $_scs_section_size  }
0x9b: {  	s6 =	simm.s32 $_size__tile_overlayer_lowered;
	s7 =	simm.s32 $_tile_overlayer_lowered  }
0x9c: {  	s22 =	simm.s32 $0x1BFF;
	s21 =	sshll.u32 s7, $0x1;
	s4 =	sadd.s32 s5, s19  }
0x9d: {  	s8 =	simm.s32 $0x0;
	s20 =	sshll.u32 s6, $0x1;
	s6 =	sadd.s32 s21, s4  }
0x9e: {  	[timem:s8], [sflag:s22] =	dma.local [hbm:s6], s20  }
0x9f: {  	_ =	swait.ge [sflag:s22], s20  }
0xa0: {  	s5 =	ssub.s32 $0x0, s20;
	[sflag:s22] =	ssyncset.done $0x0  }
0xa1: {  	[sflag:s22] =	ssyncadd.s32 s5;
	_ =	sdelay $0x1  }
0xa2: {  	s23 =	simm.s32 $0x1B8B  }
0xa3: {  	_ =	swait.ge [sflag:s23], $0x1  }
0xa4: {  	[sflag:s23] =	ssyncset.done $0x0  }
0xa5: {  	s25 =	simm.s32 $0x1B8E;
	s24 =	sld [smem:$0x3FFE];
	[sflag:s23] =	ssyncadd.s32 $0xFFFFFFFF  }
0xa6: {  	s26 =	simm.s32 $execute0_lowered;
	[smem:$0x3FD2] =	sst s25  }
0xa7: {  	s6 =	sshll.u32 s26, $0x1;
	_ =	strace $0x80000046;
	[dreg:$0x1] =	wrdreg $0xFFFFFFFF  }
0xa8: {  	s28 =	simm.s32 $_size_execute0_lowered;
	s4 =	sadd.s32 s4, s6;
	[dreg:$0x0] =	wrdreg $0x0  }
0xa9: {  	s6 =	sshll.u32 s28, $0x1;
	[dreg:$0x2] =	wrdreg s4  }
0xaa: {  	[dreg:$0x3] =	wrdreg s6  }
0xab: {  	[dreg:$0x4] =	wrdreg $0xC0  }
0xac: {  	_ =	task [dreg:s8], $0x5FFFF  }
0xad: {  	[dreg:$0x1] =	wrdreg $0xFFFFFFFF  }
0xae: {  	[dreg:$0x0] =	wrdreg $0x60  }
0xaf: {  	[dreg:$0x2] =	wrdreg s2  }
0xb0: {  	[dreg:$0x3] =	wrdreg s18  }
0xb1: {  	[dreg:$0x4] =	wrdreg s24  }
0xb2: {  	[dreg:$0x5] =	wrdreg $0xC1800  }
0xb3: {  	[dreg:$0x6] =	wrdreg $0x9  }
0xb4: {  	_ =	task.clear_ibuf [dreg:s8], $0x7FFFF;
	_ =	strace $0x90000046  }
0xb5: {  	s29 =	simm.s32 $0x9;
	_ =	strace $0x80000048  }
0xb6: {  	_ =	swait.ge [sflag:s29], $0x1  }
0xb7: {  	[sflag:s29] =	ssyncadd.s32 $0xFFFFFFFF  }
0xb8: {  	_ =	strace $0x90000048  }
0xb9: {  	_ =	sfence  }
0xba: {  	s30 =	sld [smem:$0x0];
	_ =	sdelay $0x2  }
0xbb: {  	s31 =	sshll.u32 s1, $0xD;
	s1 =	sshrl.u32 s1, $0x2  }
0xbc: {  	s3 =	sand.u32 $0x4000, s31;
	s1 =	sadd.s32 s1, s30  }
0xbd: {  	s0 =	sor.u32 s3, s0;
	s1 =	sshll.u32 s1, $0x11  }
0xbe: {  	s0 =	sor.u32 s1, s0  }
0xbf: {  	s0 =	sadd.s32 $0x8F2B, s0  }
0xc0: {  	[sflag:s0] =	ssyncadd.remote.s32 $0x1  }
0xc1: {  	_ =	sfence.sel $0xFFFF  }
0xc2: {  	[dreg:$0x0] =	wrdreg $0xFFFFFFFF;
	(pc) =	sbr.abs _section_cstart, $3  }
0xc3: {  	[dreg:$0x1] =	wrdreg $0xFFFFFFFF  }
0xc4: {  	_ =	task.clear_ibuf [dreg:s8], $0x2FFFF;
	_ =	strace $0x9FFFFFFF  }
0xc5: {  	(tm) =	ssettm $0x7FFFFFFF  }
tec
execute0_lowered:
.L_overlay_start_1:
0x0: {  	(tag) =	ssettag $0x1  }
0x1: {  	s1 =	rddreg [dreg:$0x0]  }
0x2: {  	s0 =	rddreg [dreg:$0x1]  }
0x3: {  	s2 =	srdreg.scid;
	s5 =	rddreg [dreg:$0x2]  }
0x4: {  	s23 =	stileid.u32;
	s3 =	simm.s32 $0x0;
	s28 =	simm.s32 $0x1  }
0x5: {  	s29 =	simm.s32 $0x4;
	s14 =	sand.u32 $0x1, s2;
	s2 =	rddreg [dreg:$0x3]  }
0x6: {  	s30 =	simm.s32 $0x2;
	s31 =	simm.s32 $0x3;
	[smem:$0x7FF] =	sst s3  }
0x7: {  	s16 =	sadd.s32 $0x3000, s5;
	s11 =	smul.u32 $0x4F000, s23;
	p0 =	seq.s32 s23, $0xF  }
0x8: {  	s4 =	sshll.u32 s14, $0x4;
	_ =	strace $0x80000047;
	s7 =	ssub.s32 $0x2, s14  }
0x9: {  	s19 =	smul.u32 $0x138800, s14;
	s12 =	sadd.s32 $0x128400, s2;
	s13 =	sor.u32 s23, s4  }
0xa: {  	s4 =	sadd.s32 $0x800, s5;
	s8 =	sshrl.u32 s7, $0x1;
	s11 =	sshrl.u32 s11, $0x2  }
0xb: {  	s6 =	smul.u32 $0x4E, s13;
	s15 =	smin.u32 s13, $0x4;
	s17 =	ssub.s32 s7, s8  }
0xc: {  	s11 =	sadd.s32 s11, s2;
	s19 =	sshrl.u32 s19, $0x3;
	p1 =	sgt.u32 s13, $0x3  }
0xd: {  	s19 =	sadd.s32 s16, s19;
	s17 =	smax.u32 s17, $0x1;
	s6 =	sadd.s32 s15, s6  }
0xe: {  	s26 =	sadd.s32 $0x25080, s19;
	s18 =	sshll.u32 s6, $0x7;
	s20 =	sshll.u32 s6, $0x4  }
0xf: {  	s6 =	sshll.u32 s6, $0xB;
	[dreg:$0x7] =	wrdreg s26;
	s21 =	sadd.s32 $0x80, s18  }
0x10: {  	s5 =	sadd.s32 s0, s20;
	s22 =	sadd.s32 s1, s6;
	s10 =	sadd.s32 $0x100, s18  }
0x11: {  	s20 =	smul.u32 $0x27100, s14;
	s18 =	sadd.s32 $0x2700, s18;
	[dreg:$0x5] =	wrdreg s5  }
0x12: {  	[dreg:$0x6] =	wrdreg s22;
	s24 =	sshrl.u32 s21, $0x3;
	s9 =	sshll.u32 s21, $0x4  }
0x13: {  	s25 =	sshrl.u32 s10, $0x3;
	s10 =	sshll.u32 s10, $0x4;
	s21 =	smul.u32 $0x2780, s23  }
0x14: {  	s6 =	sshrl.u32 s18, $0x3;
	s22 =	smul.u32 $0x270000, s14;
	s18 =	sshll.u32 s18, $0x4  }
0x15: {  	s7 =	sadd.s32 s0, s24;
	s8 =	sadd.s32 s1, s9;
	s9 =	sadd.s32 s0, s25  }
0x16: {  	s10 =	sadd.s32 s1, s10;
	s19 =	sadd.s32 s0, s6;
	s25 =	smul.u32 $0x27000, s23  }
0x17: {  	s6 =	smul.u32 $0x27000, s14;
	s18 =	sadd.s32 s1, s18;
	[dreg:$0x8] =	wrdreg s19  }
0x18: {  	s14 =	smul.u32 $0x4E0, s14;
	s24 =	sadd.s32 s21, s20;
	[dreg:$0xa] =	wrdreg s18  }
0x19: {  	s1 =	sadd.s32 s22, s1;
	s19 =	smul.u32 $0x2700, s23;
	s20 =	sshll.u32 s15, $0x7  }
0x1a: {  	s21 =	smul.u32 $0x4E, s23;
	s22 =	sshll.u32 s15, $0xB;
	s23 =	simm.s32 $0x80  }
0x1b: {  	s26 =	sadd.s32 s16, s24;
	s1 =	sadd.s32 s25, s1;
	s14 =	sor.u32 s14, s15  }
0x1c: {  	[dreg:$0x9] =	wrdreg s26;
	s16 =	sadd.s32 s19, s6;
	s18 =	sadd.s32 s22, s1  }
0x1d: {  	s14 =	sadd.s32 s21, s14;
	s6 =	stileid.u32;
	s22 =	simm.s32 $0x180  }
.Ltmp0:
0x1e: {  	s16 =	sadd.s32 s20, s16;
	s14 =	sshll.u32 s14, $0x4;
	(pc) =	sbr.rel .LBB2_1-.Ltmp0, $4  }
0x1f: {  	s24 =	sadd.s32 $0x280, s16;
	s25 =	sadd.s32 $0x200, s16;
	s14 =	sadd.s32 s14, s0  }
0x20: {  	s1 =	sshrl.u32 s24, $0x3;
	s26 =	sshrl.u32 s25, $0x3;
	s21 =	sadd.s32 $0x30, s14  }
0x21: {  	s24 =	simm.s32 $0x4180;
	s25 =	simm.s32 $0x100;
	s19 =	sadd.s32 s1, s0  }
0x22: {  	s20 =	sadd.s32 s26, s0;
	s26 =	simm.s32 $0x8180;
	s0 =	simm.s32 $0x0  }
.LBB2_7:
0x23: {  	s1 =	sshrl.u32 s12, $0x3;
	s5 =	rddreg [dreg:$0x7];
	s13 =	simm.s32 $0x1FC4  }
0x24: {  	[hbm:s5], [sflag:s13] =	dma.local [spmem:s1], $0x2080  }
0x25: {  	_ =	swait.ge [sflag:s29], $0x2080  }
0x26: {  	[sflag:s29] =	ssyncset.done $0x0  }
0x27: {  	[sflag:s29] =	ssyncadd.s32 $0xFFFFDF80  }
.LBB2_8:
0x28: {  	s0 =	sadd.s32 $0x1, s0  }
0x29: {  	p2 =	sne.s32 s0, s17  }
.Ltmp1:
0x2a: {  	_ = 	snop;
	(pc) =	sbr.rel @!p2 .LBB2_9-.Ltmp1, $1  }
0x2b: {  	_ =	sdelay $0x3  }
.LBB2_1:
0x2c: {  	s1 =	rddreg [dreg:$0x5]  }
0x2d: {  	[tilespmem:s3], [sflag:$0x1] =	stream.linear.gather [hbm4b:s1+s3], $0x80, $0x38;
	[tilespmem:$0x1FA00] =	vst v63  }
0x2e: {  	s16 =	rddreg [dreg:$0x6]  }
0x2f: {  	[tilespmem:s22], [sflag:$0x1] =	stream.linear.gather [hbm4b:s16+s3], $0x4000, $0x38;
	[tilespmem:$0x1FA00] =	vst v63  }
0x30: {  	_ = 	snop  }
0x31: {  	[tilespmem:s23], [sflag:$0x2] =	stream.linear.gather [hbm4b:s7+s3], $0x80, $0x38;
	[tilespmem:$0x1FA00] =	vst v63  }
0x32: {  	_ = 	snop  }
0x33: {  	[tilespmem:s24], [sflag:$0x2] =	stream.linear.gather [hbm4b:s8+s3], $0x4000, $0x38;
	[tilespmem:$0x1FA00] =	vst v63  }
0x34: {  	_ = 	snop  }
0x35: {  	[tilespmem:s25], [sflag:$0x3] =	stream.linear.gather [hbm4b:s9+s3], $0x80, $0x38;
	[tilespmem:$0x1FA00] =	vst v63  }
0x36: {  	s13 =	simm.s32 @p0 $0x1FC4;
	s1 =	sshrl.u32 @p0 s12, $0x3  }
0x37: {  	[tilespmem:s26], [sflag:$0x3] =	stream.linear.gather [hbm4b:s10+s3], $0x4000, $0x38;
	[tilespmem:$0x1FA00] =	vst v63  }
0x38: {  	[spmem:s1], [sflag:s13] =	dma.local @p0 [hbm:s4], $0x2080  }
0x39: {  	s1 =	simm.s32 @p0 $0x4  }
0x3a: {  	_ =	swait.ge @p0 [sflag:s1], $0x2080  }
0x3b: {  	s13 =	sshll.u32 @!p0 s6, $0x6;
	[sflag:s1] =	ssyncset.done @p0 $0x0  }
0x3c: {  	[sflag:s1] =	ssyncadd.s32 @p0 $0xFFFFDF80;
	s1 =	sor.u32 @!p0 $0x1C04, s13;
	s13 =	sshrl.u32 @!p0 s11, $0x3  }
0x3d: {  	[spmem:s13], [sflag:s1] =	dma.local @!p0 [hbm:s4], $0x2780  }
0x3e: {  	s1 =	simm.s32 @!p0 $0x4  }
0x3f: {  	_ =	swait.ge @!p0 [sflag:s1], $0x2780  }
0x40: {  	[sflag:s1] =	ssyncset.done @!p0 $0x0  }
0x41: {  	[sflag:s1] =	ssyncadd.s32 @!p0 $0xFFFFD880  }
0x42: {  	[bflag:$0x0] =	sbarrier.arrive $0xFFFF  }
0x43: {  	_ =	swait.ge [sflag:s28], $0x80  }
0x44: {  	[sflag:s28] =	ssyncset.done $0x0  }
0x45: {  	[sflag:s28] =	ssyncadd.s32 $0xFFFFFF80  }
0x46: {  	_ =	swait.ge [sflag:s28], $0x4000  }
0x47: {  	[sflag:s28] =	ssyncset.done $0x0  }
0x48: {  	[sflag:s28] =	ssyncadd.s32 $0xFFFFC000  }
0x49: {  	[spmem:s2] =	stream.indirect.scatter.add.f32 [tilespmem:s22], [sflag:$0x4], $0x80, s3, s23, $0xb8;
	[tilespmem:$0x1FA00] =	vst v63  }
0x4a: {  	_ =	swait.ge [sflag:s29], $0x4000  }
0x4b: {  	[sflag:s29] =	ssyncset.done $0x0  }
0x4c: {  	s5 =	sadd.s32 $0x0, s18;
	[sflag:s29] =	ssyncadd.s32 $0xFFFFC000  }
0x4d: {  	[tilespmem:s3], [sflag:$0x1] =	stream.linear.gather [hbm4b:s21+s3], $0x80, $0x38;
	[tilespmem:$0x1FA00] =	vst v63  }
0x4e: {  	s15 =	sadd.s32 $0x1800, s5  }
0x4f: {  	[tilespmem:s22], [sflag:$0x1] =	stream.linear.gather [hbm4b:s15+s3], $0x4000, $0x38;
	[tilespmem:$0x1FA00] =	vst v63  }
0x50: {  	_ =	swait.ge [sflag:s30], $0x80  }
0x51: {  	[sflag:s30] =	ssyncset.done $0x0  }
0x52: {  	[sflag:s30] =	ssyncadd.s32 $0xFFFFFF80  }
0x53: {  	_ =	swait.ge [sflag:s30], $0x4000  }
0x54: {  	[sflag:s30] =	ssyncset.done $0x0  }
0x55: {  	[sflag:s30] =	ssyncadd.s32 $0xFFFFC000  }
0x56: {  	[spmem:s2] =	stream.indirect.scatter.add.f32 [tilespmem:s24], [sflag:$0x4], $0x80, s23, s23, $0xb8;
	[tilespmem:$0x1FA00] =	vst v63  }
0x57: {  	_ =	swait.ge [sflag:s29], $0x4000  }
0x58: {  	[sflag:s29] =	ssyncset.done $0x0  }
0x59: {  	[sflag:s29] =	ssyncadd.s32 $0xFFFFC000  }
0x5a: {  	[tilespmem:s23], [sflag:$0x2] =	stream.linear.gather [hbm4b:s20+s3], $0x80, $0x38;
	[tilespmem:$0x1FA00] =	vst v63  }
0x5b: {  	s16 =	sadd.s32 $0x2000, s5  }
0x5c: {  	[tilespmem:s24], [sflag:$0x2] =	stream.linear.gather [hbm4b:s16+s3], $0x4000, $0x38;
	[tilespmem:$0x1FA00] =	vst v63  }
0x5d: {  	_ =	swait.ge [sflag:s31], $0x80  }
0x5e: {  	[sflag:s31] =	ssyncset.done $0x0  }
0x5f: {  	[sflag:s31] =	ssyncadd.s32 $0xFFFFFF80  }
0x60: {  	_ =	swait.ge [sflag:s31], $0x4000  }
0x61: {  	[sflag:s31] =	ssyncset.done $0x0  }
0x62: {  	[sflag:s31] =	ssyncadd.s32 $0xFFFFC000  }
0x63: {  	[spmem:s2] =	stream.indirect.scatter.add.f32 [tilespmem:s26], [sflag:$0x4], $0x80, s25, s23, $0xb8;
	[tilespmem:$0x1FA00] =	vst v63  }
0x64: {  	s14 =	sadd.s32 $0x30, s21;
	_ =	swait.ge [sflag:s29], $0x4000  }
0x65: {  	s13 =	simm.s32 $0x1800;
	s1 =	sadd.s32 $0x2800, s5;
	[sflag:s29] =	ssyncset.done $0x0  }
0x66: {  	s15 =	sadd.s32 $0x30, s20;
	s16 =	sadd.s32 $0x30, s19;
	[sflag:s29] =	ssyncadd.s32 $0xFFFFC000  }
0x67: {  	[tilespmem:s25], [sflag:$0x3] =	stream.linear.gather [hbm4b:s19+s3], $0x80, $0x38;
	[tilespmem:$0x1FA00] =	vst v63  }
.LBB2_2:
0x68: {  	[tilespmem:s26], [sflag:$0x3] =	stream.linear.gather [hbm4b:s1+s3], $0x4000, $0x38;
	[tilespmem:$0x1FA00] =	vst v63  }
0x69: {  	s1 =	smov.u32 s13  }
0x6a: {  	p2 =	sne.s32 s13, $0x24000;
	s13 =	sadd.s32 $0x1800, s13;
	_ =	swait.ge [sflag:s28], $0x80  }
0x6b: {  	[sflag:s28] =	ssyncset.done $0x0  }
0x6c: {  	[sflag:s28] =	ssyncadd.s32 $0xFFFFFF80  }
0x6d: {  	_ =	swait.ge [sflag:s28], $0x4000  }
0x6e: {  	[sflag:s28] =	ssyncset.done $0x0  }
0x6f: {  	[sflag:s28] =	ssyncadd.s32 $0xFFFFC000  }
0x70: {  	[spmem:s2] =	stream.indirect.scatter.add.f32 [tilespmem:s22], [sflag:$0x4], $0x80, s3, s23, $0xb8;
	[tilespmem:$0x1FA00] =	vst v63  }
0x71: {  	_ =	swait.ge [sflag:s29], $0x4000  }
0x72: {  	[sflag:s29] =	ssyncset.done $0x0  }
0x73: {  	s1 =	sadd.s32 s1, s18;
	[sflag:s29] =	ssyncadd.s32 $0xFFFFC000  }
0x74: {  	[tilespmem:s3], [sflag:$0x1] =	stream.linear.gather [hbm4b:s14+s3], $0x80, $0x38;
	[tilespmem:$0x1FA00] =	vst v63  }
0x75: {  	s5 =	sadd.s32 $0x1800, s1  }
0x76: {  	[tilespmem:s22], [sflag:$0x1] =	stream.linear.gather [hbm4b:s5+s3], $0x4000, $0x38;
	[tilespmem:$0x1FA00] =	vst v63  }
0x77: {  	_ =	swait.ge [sflag:s30], $0x80  }
0x78: {  	[sflag:s30] =	ssyncset.done $0x0  }
0x79: {  	[sflag:s30] =	ssyncadd.s32 $0xFFFFFF80  }
0x7a: {  	_ =	swait.ge [sflag:s30], $0x4000  }
0x7b: {  	[sflag:s30] =	ssyncset.done $0x0  }
0x7c: {  	[sflag:s30] =	ssyncadd.s32 $0xFFFFC000  }
0x7d: {  	[spmem:s2] =	stream.indirect.scatter.add.f32 [tilespmem:s24], [sflag:$0x4], $0x80, s23, s23, $0xb8;
	[tilespmem:$0x1FA00] =	vst v63  }
0x7e: {  	_ =	swait.ge [sflag:s29], $0x4000  }
0x7f: {  	[sflag:s29] =	ssyncset.done $0x0  }
0x80: {  	[sflag:s29] =	ssyncadd.s32 $0xFFFFC000  }
0x81: {  	[tilespmem:s23], [sflag:$0x2] =	stream.linear.gather [hbm4b:s15+s3], $0x80, $0x38;
	[tilespmem:$0x1FA00] =	vst v63  }
0x82: {  	s5 =	sadd.s32 $0x2000, s1  }
0x83: {  	[tilespmem:s24], [sflag:$0x2] =	stream.linear.gather [hbm4b:s5+s3], $0x4000, $0x38;
	[tilespmem:$0x1FA00] =	vst v63  }
0x84: {  	_ =	swait.ge [sflag:s31], $0x80  }
0x85: {  	[sflag:s31] =	ssyncset.done $0x0  }
0x86: {  	[sflag:s31] =	ssyncadd.s32 $0xFFFFFF80  }
0x87: {  	_ =	swait.ge [sflag:s31], $0x4000  }
0x88: {  	[sflag:s31] =	ssyncset.done $0x0  }
0x89: {  	[sflag:s31] =	ssyncadd.s32 $0xFFFFC000  }
0x8a: {  	[spmem:s2] =	stream.indirect.scatter.add.f32 [tilespmem:s26], [sflag:$0x4], $0x80, s25, s23, $0xb8;
	[tilespmem:$0x1FA00] =	vst v63  }
.Ltmp2:
0x8b: {  	_ =	swait.ge [sflag:s29], $0x4000;
	(pc) =	sbr.rel @p2 .LBB2_2-.Ltmp2, $4  }
0x8c: {  	[sflag:s29] =	ssyncset.done $0x0  }
0x8d: {  	s14 =	sadd.s32 $0x30, s14;
	[sflag:s29] =	ssyncadd.s32 $0xFFFFC000  }
0x8e: {  	[tilespmem:s25], [sflag:$0x3] =	stream.linear.gather [hbm4b:s16+s3], $0x80, $0x38;
	[tilespmem:$0x1FA00] =	vst v63  }
0x8f: {  	s1 =	sadd.s32 $0x2800, s1;
	s15 =	sadd.s32 $0x30, s15;
	s16 =	sadd.s32 $0x30, s16  }
0x90: {  	[tilespmem:s26], [sflag:$0x3] =	stream.linear.gather [hbm4b:s1+s3], $0x4000, $0x38;
	[tilespmem:$0x1FA00] =	vst v63  }
0x91: {  	_ =	swait.ge [sflag:s28], $0x80  }
0x92: {  	[sflag:s28] =	ssyncset.done $0x0  }
0x93: {  	[sflag:s28] =	ssyncadd.s32 $0xFFFFFF80  }
0x94: {  	_ =	swait.ge [sflag:s28], $0x4000  }
0x95: {  	[sflag:s28] =	ssyncset.done $0x0  }
0x96: {  	[sflag:s28] =	ssyncadd.s32 $0xFFFFC000  }
0x97: {  	[spmem:s2] =	stream.indirect.scatter.add.f32 [tilespmem:s22], [sflag:$0x4], $0x80, s3, s23, $0xb8;
	[tilespmem:$0x1FA00] =	vst v63  }
0x98: {  	_ =	swait.ge [sflag:s29], $0x4000  }
0x99: {  	[sflag:s29] =	ssyncset.done $0x0  }
0x9a: {  	[sflag:s29] =	ssyncadd.s32 $0xFFFFC000  }
0x9b: {  	_ =	swait.ge [sflag:s30], $0x80  }
0x9c: {  	[sflag:s30] =	ssyncset.done $0x0  }
0x9d: {  	[sflag:s30] =	ssyncadd.s32 $0xFFFFFF80  }
0x9e: {  	_ =	swait.ge [sflag:s30], $0x4000  }
0x9f: {  	[sflag:s30] =	ssyncset.done $0x0  }
0xa0: {  	[sflag:s30] =	ssyncadd.s32 $0xFFFFC000  }
0xa1: {  	[spmem:s2] =	stream.indirect.scatter.add.f32 [tilespmem:s24], [sflag:$0x4], $0x80, s23, s23, $0xb8;
	[tilespmem:$0x1FA00] =	vst v63  }
0xa2: {  	_ =	swait.ge [sflag:s29], $0x4000  }
0xa3: {  	[sflag:s29] =	ssyncset.done $0x0  }
0xa4: {  	[sflag:s29] =	ssyncadd.s32 $0xFFFFC000  }
0xa5: {  	_ =	swait.ge [sflag:s31], $0x80  }
0xa6: {  	[sflag:s31] =	ssyncset.done $0x0  }
0xa7: {  	[sflag:s31] =	ssyncadd.s32 $0xFFFFFF80  }
0xa8: {  	_ =	swait.ge [sflag:s31], $0x4000  }
0xa9: {  	[sflag:s31] =	ssyncset.done $0x0  }
.Ltmp3:
0xaa: {  	[sflag:s31] =	ssyncadd.s32 $0xFFFFC000;
	(pc) =	sbr.rel @p1 .LBB2_5-.Ltmp3, $4  }
0xab: {  	[spmem:s2] =	stream.indirect.scatter.add.f32 [tilespmem:s26], [sflag:$0x4], $0x80, s25, s23, $0xb8;
	[tilespmem:$0x1FA00] =	vst v63  }
0xac: {  	_ =	swait.ge [sflag:s29], $0x4000  }
0xad: {  	[sflag:s29] =	ssyncset.done $0x0  }
0xae: {  	[sflag:s29] =	ssyncadd.s32 $0xFFFFC000  }
0xaf: {  	s1 =	rddreg [dreg:$0x8]  }
0xb0: {  	[tilespmem:s3], [sflag:$0x1] =	stream.linear.gather [hbm4b:s1+s3], $0x80, $0x38;
	[tilespmem:$0x1FA00] =	vst v63  }
0xb1: {  	s16 =	rddreg [dreg:$0xa]  }
0xb2: {  	[tilespmem:s22], [sflag:$0x1] =	stream.linear.gather [hbm4b:s16+s3], $0x4000, $0x38;
	[tilespmem:$0x1FA00] =	vst v63  }
0xb3: {  	_ =	swait.ge [sflag:s28], $0x80  }
0xb4: {  	[sflag:s28] =	ssyncset.done $0x0  }
0xb5: {  	[sflag:s28] =	ssyncadd.s32 $0xFFFFFF80  }
0xb6: {  	_ =	swait.ge [sflag:s28], $0x4000  }
0xb7: {  	[sflag:s28] =	ssyncset.done $0x0  }
0xb8: {  	[sflag:s28] =	ssyncadd.s32 $0xFFFFC000  }
0xb9: {  	[spmem:s2] =	stream.indirect.scatter.add.f32 [tilespmem:s22], [sflag:$0x4], $0x80, s3, s23, $0xb8;
	[tilespmem:$0x1FA00] =	vst v63  }
.Ltmp4:
0xba: {  	_ =	swait.ge [sflag:s29], $0x4000;
	(pc) =	sbr.rel .LBB2_6-.Ltmp4, $3  }
0xbb: {  	[sflag:s29] =	ssyncset.done $0x0  }
0xbc: {  	[sflag:s29] =	ssyncadd.s32 $0xFFFFC000  }
0xbd: {  	[bflag:$0x0] =	sbarrier.arrive $0xFFFF;
	_ =	sdelay $0x1  }
.LBB2_5:
.Ltmp5:
0xbe: {  	(pc) =	sbr.rel @p0 .LBB2_7-.Ltmp5, $2  }
0xbf: {  	_ =	sdelay $0x1  }
0xc0: {  	[bflag:$0x0] =	sbarrier.arrive $0xFFFF;
	_ =	sdelay $0x1  }
.LBB2_6:
0xc1: {  	s1 =	sshll.u32 s6, $0x6;
	s5 =	sshrl.u32 s11, $0x3  }
.Ltmp6:
0xc2: {  	s13 =	rddreg [dreg:$0x9];
	s1 =	sor.u32 $0x1C04, s1;
	(pc) =	sbr.rel .LBB2_8-.Ltmp6, $4  }
0xc3: {  	[hbm:s13], [sflag:s1] =	dma.local [spmem:s5], $0x2780  }
0xc4: {  	_ =	swait.ge [sflag:s29], $0x2780  }
0xc5: {  	[sflag:s29] =	ssyncset.done $0x0  }
0xc6: {  	[sflag:s29] =	ssyncadd.s32 $0xFFFFD880  }
.LBB2_9:
0xc7: {  	_ =	sfence.sel $0x180000  }
0xc8: {  	[bflag:$0x0] =	sbarrier.arrive $0xFFFF  }
0xc9: {  	_ =	strace $0x90000047  }
0xca: {  	[bflag:$0x2] =	sbarrier.arrive $0xFFFF  }
0xcb: {  	p0 =	sne.s32 s6, $0x0;
	s0 =	rddreg [dreg:$0x4]  }
0xcc: {  	s0 =	sadd.s32 @!p0 $0x100000, s0  }
0xcd: {  	[sflag:s0] =	ssyncadd.tile.s32 @!p0 $0x1;
	_ =	shalt  }
.Lfunc_end2:
_tile_overlayer_lowered:
.L_overlay_start_2:
0xce: {  	(tag) =	ssettag $0x2  }
0xcf: {  	s0 =	rddreg [dreg:$0x0];
	s2 =	stileid.u32  }
0xd0: {  	s1 =	rddreg [dreg:$0x1];
	p0 =	sne.s32 s2, $0x0  }
0xd1: {  	s3 =	rddreg [dreg:$0x2];
	[bflag:$0x3] =	sbarrier.arrive $0xFFFF;
	s2 =	simm.s32 @!p0 $0x1C04  }
0xd2: {  	[timem:s3], [sflag:s2] =	dma.local @!p0 [hbm:s0], s1  }
0xd3: {  	s0 =	simm.s32 @!p0 $0x4  }
0xd4: {  	_ =	swait.ge @!p0 [sflag:s0], s1  }
0xd5: {  	s1 =	ssub.s32 @!p0 $0x0, s1;
	[sflag:s0] =	ssyncset.done @!p0 $0x0  }
0xd6: {  	[sflag:s0] =	ssyncadd.s32 @!p0 s1  }
0xd7: {  	[bflag:$0x3] =	sbarrier.arrive $0xFFFF  }
0xd8: {  	_ =	shalt  }

</sc_bundles>
